<compile_context>
chip_gen: v7x
topology: tpu7x:2x2x1
jax: 0.10.2.dev20260603
libtpu: 0.0.44.dev20260713+nightly
codegen_flags: <defaults>
</compile_context>

<pallas_src>
import functools

import jax
import jax.numpy as jnp
from jax import lax
from jax.experimental import pallas as pl
from jax.experimental.pallas import tpu as pltpu
from jax.experimental.pallas import tpu_sc as plsc

N = 10000
EDG = 320000
F = 128
R = 8

NC, NS = 2, 16
H = N // 2
K = 128
CH = 157
NBUF = 3
EPT = K * CH
ETOT = NS * EPT
NACC = 5008
RPT = 320
LAST_Z = NACC - RPT * (NS - 1)
LAST_C = H - RPT * (NS - 1)
PADTGT = (1 << 14) - 1

BN = 1000
BF = 1000


def _mm_body(e_ref, w_ref, o_ref):
    o_ref[0] = jnp.dot(e_ref[...], w_ref[0], preferred_element_type=jnp.float32)


def _finish_body(p_ref, o_ref):
    o_ref[...] = jnp.maximum(p_ref[0], 0.0)


_mesh = plsc.VectorSubcoreMesh(
    core_axis_name="c", subcore_axis_name="s", num_cores=NC, num_subcores=NS
)


@functools.partial(
    pl.kernel,
    out_type=jax.ShapeDtypeStruct((NC, H, F), jnp.float32),
    mesh=_mesh,
    compiler_params=pltpu.CompilerParams(needs_layout_passes=False),
    scratch_types=[
        pltpu.VMEM((CH, K), jnp.int32),
        pltpu.VMEM((CH, K), jnp.int32),
        pltpu.VMEM((16,), jnp.int32),
        *([pltpu.VMEM((K, F), jnp.float32)] * NBUF),
        pltpu.VMEM_SHARED((NACC, F), jnp.float32),
        *([pltpu.SemaphoreType.DMA] * (NBUF + 1)),
    ],
)
def _sc_scatter(t_hbm, praw_hbm, zrows_hbm, out_hbm,
                fidx_v, tgt_v, cnt_v, *rest):
    bufs = rest[:NBUF]
    accum = rest[NBUF]
    gsem = rest[NBUF + 1:NBUF + 1 + NBUF]
    ssem = gsem
    c = lax.axis_index("c")
    s = lax.axis_index("s")

    @pl.when(s < NS - 1)
    def _():
        pltpu.async_copy(zrows_hbm, accum.at[pl.ds(s * RPT, RPT)], rest[-1])
    @pl.when(s == NS - 1)
    def _():
        pltpu.async_copy(zrows_hbm.at[pl.ds(0, LAST_Z)],
                         accum.at[pl.ds((NS - 1) * RPT, LAST_Z)], rest[-1])

    pltpu.sync_copy(praw_hbm.at[s], fidx_v)

    lo = c * H
    lanes = jnp.arange(16, dtype=jnp.int32)
    zero16 = jnp.zeros((16,), jnp.int32)

    lobase = lo << 17

    def comp_body(i, offv):
        row = i // (K // 16)
        col = (i % (K // 16)) * 16
        p = fidx_v[row, pl.ds(col, 16)]
        tl = (p >> 17) - lo
        own = (tl >= 0) & (tl < H)
        cnt = plsc.all_reduce_population_count(own)
        sel = lanes < cnt
        pos = offv + lanes
        prow = pos >> 7
        pcol = pos & (K - 1)
        plsc.store_compressed(cnt_v.at[...], p - lobase, mask=own)
        pc = cnt_v[...]
        plsc.store_scatter(fidx_v, [prow, pcol], pc & ((1 << 17) - 1),
                           mask=sel)
        plsc.store_scatter(tgt_v, [prow, pcol], pc >> 17, mask=sel)
        return offv + cnt

    offv = lax.fori_loop(0, EPT // 16, comp_body, zero16)
    cnt_v[...] = offv
    off = cnt_v[...][0]

    nch = (off + K - 1) // K
    end = nch * K
    zeros16 = jnp.zeros((16,), jnp.int32)
    dumps16 = jnp.full((16,), H, jnp.int32)
    for b in range(K // 16):
        pos = off + b * 16 + lanes
        m = pos < end
        prow = pos >> 7
        pcol = pos & (K - 1)
        plsc.store_scatter(fidx_v, [prow, pcol], zeros16, mask=m)
        plsc.store_scatter(tgt_v, [prow, pcol], dumps16, mask=m)

    @pl.when(s < NS - 1)
    def _():
        pltpu.make_async_copy(
            zrows_hbm, accum.at[pl.ds(s * RPT, RPT)], rest[-1]).wait()
    @pl.when(s == NS - 1)
    def _():
        pltpu.make_async_copy(
            zrows_hbm.at[pl.ds(0, LAST_Z)],
            accum.at[pl.ds((NS - 1) * RPT, LAST_Z)], rest[-1]).wait()
    plsc.subcore_barrier()

    def gather(ch, j):
        pltpu.async_copy(t_hbm.at[fidx_v.at[ch]], bufs[j], gsem[j])

    def wait_gather(ch, j):
        pltpu.make_async_copy(t_hbm.at[fidx_v.at[ch]], bufs[j], gsem[j]).wait()

    def scatter(ch, j):
        pltpu.async_copy(bufs[j], accum.at[tgt_v.at[ch]], ssem[j], add=True)

    def wait_scatter(ch, j):
        pltpu.make_async_copy(bufs[j], accum.at[tgt_v.at[ch]], ssem[j]).wait()

    def pipe_step(ch, j):
        @pl.when(ch < nch)
        def _():
            wait_gather(ch, j)
            scatter(ch, j)
        d = ch - (NBUF - 2)
        if not (isinstance(d, int) and d < 0):
            @pl.when(d < nch)
            def _():
                wait_scatter(d, (j + 2) % NBUF)
        g = ch + 2
        @pl.when(g < nch)
        def _():
            gather(g, (j + 2) % NBUF)

    for ch in range(2):
        @pl.when(ch < nch)
        def _():
            gather(ch, ch % NBUF)
    for ch in range(2):
        pipe_step(ch, ch % NBUF)

    def body(i, carry):
        base = NBUF * i + 2
        for jj in range(NBUF):
            pipe_step(base + jj, (2 + jj) % NBUF)
        return carry

    lax.fori_loop(0, (CH - 4) // NBUF, body, 0)

    for ch in range(CH - 2, CH + 1):
        pipe_step(ch, ch % NBUF)

    plsc.subcore_barrier()
    @pl.when(s < NS - 1)
    def _():
        pltpu.sync_copy(accum.at[pl.ds(s * RPT, RPT)],
                        out_hbm.at[c, pl.ds(s * RPT, RPT)])
    @pl.when(s == NS - 1)
    def _():
        pltpu.sync_copy(accum.at[pl.ds((NS - 1) * RPT, LAST_C)],
                        out_hbm.at[c, pl.ds((NS - 1) * RPT, LAST_C)])


def kernel(entity_embeddings, weight, edge_index, edge_type):
    src = edge_index[0]
    tgt = edge_index[1]
    flat_idx = edge_type * N + src

    pad = ETOT - EDG
    packed = (tgt << 17) | flat_idx
    praw = jnp.concatenate(
        [packed, jnp.full((pad,), (PADTGT << 17), jnp.int32)]
    ).reshape(NS, CH, K)
    zrows = jnp.zeros((RPT, F), jnp.float32)

    t = pl.pallas_call(
        _mm_body,
        grid=(N // BN, R),
        in_specs=[
            pl.BlockSpec((BN, F), lambda i, r: (i, 0)),
            pl.BlockSpec((1, F, F), lambda i, r: (r, 0, 0)),
        ],
        out_specs=pl.BlockSpec((1, BN, F), lambda i, r: (r, i, 0)),
        out_shape=jax.ShapeDtypeStruct((R, N, F), jnp.float32),
    )(entity_embeddings, weight)
    t_flat = t.reshape(R * N, F)

    partials = _sc_scatter(t_flat, praw, zrows)

    out = pl.pallas_call(
        _finish_body,
        grid=(N // BF,),
        in_specs=[pl.BlockSpec((1, BF, F),
                               lambda i: (i // (H // BF), i % (H // BF), 0))],
        out_specs=pl.BlockSpec((BF, F), lambda i: (i, 0)),
        out_shape=jax.ShapeDtypeStruct((N, F), jnp.float32),
    )(partials)
    return out

# --- scband reference (transcript-rebuilt; emitter-appended) ---
"""Pipeline reference for scband-rgcnlayer-33122787786775 (READ-ONLY COPY).

The authoritative reference and input builder live on the scoring server;
editing this copy changes nothing except your own understanding.
"""

import jax, jax.numpy as jnp
import numpy as np

N_NODES = 10000
N_EDGES = 320000
IN_FEAT = 128
OUT_FEAT = 128
NUM_REL = 8


def setup_inputs(seed: int = 0) -> dict:
    key = jax.random.key(seed)
    k1, k2, k3, k4 = jax.random.split(key, 4)
    entity_embeddings = jax.random.normal(k1, (N_NODES, IN_FEAT), dtype=jnp.float32)
    edge_index = jax.random.randint(k2, (2, N_EDGES), 0, N_NODES, dtype=jnp.int32)
    edge_type = jax.random.randint(k3, (N_EDGES,), 0, NUM_REL, dtype=jnp.int32)
    # xavier_uniform_ on weight of shape (R, in, out): torch fan_in = in*out, fan_out = R*out
    fan_in = IN_FEAT * OUT_FEAT
    fan_out = NUM_REL * OUT_FEAT
    a = float(np.sqrt(6.0 / (fan_in + fan_out)))
    weight = jax.random.uniform(k4, (NUM_REL, IN_FEAT, OUT_FEAT), dtype=jnp.float32, minval=-a, maxval=a)
    return {
        "entity_embeddings": entity_embeddings,
        "weight": weight,
        "edge_index": edge_index,
        "edge_type": edge_type,
    }


def reference(entity_embeddings, weight, edge_index, edge_type):
    # Faithful RGCN layer: per-relation linear transform of source node
    # features, scatter-add (index_add_) into target nodes, then ReLU.
    # Dropout is identity in eval mode.
    # Note: entity_embeddings[src] @ W[r] == (entity_embeddings @ W[r])[src],
    # so we transform all nodes once per relation, then gather per edge
    # (same math, avoids redundant per-edge matmuls).
    src = edge_index[0]
    tgt = edge_index[1]
    num_entities = entity_embeddings.shape[0]
    num_relations = weight.shape[0]
    out_feat = weight.shape[2]
    messages = jnp.zeros((num_entities, out_feat), dtype=entity_embeddings.dtype)
    for r in range(num_relations):
        transformed = entity_embeddings @ weight[r]          # (N, out_feat)
        msg = jnp.take(transformed, src, axis=0)             # gather per edge
        mask = (edge_type == r).astype(entity_embeddings.dtype)
        messages = messages.at[tgt].add(msg * mask[:, None]) # scatter-add
    out = jax.nn.relu(messages)
    return out

if __name__ == "__main__":
    import jax
    _d = setup_inputs()
    print(jax.jit(kernel)(*tuple(_d.values())))

</pallas_src>

<mosaic_0001>
#map = affine_map<(d0, d1) -> (0, 0)>
#map1 = affine_map<(d0, d1) -> (0, 0, 0)>
module attributes {stable_mosaic.version = 14 : i64} {
  func.func @_sc_scatter(%arg0: i32, %arg1: i32, %arg2: memref<80000x128xf32, #tpu.memory_space<hbm>>, %arg3: memref<16x157x128xi32, #tpu.memory_space<hbm>>, %arg4: memref<320x128xf32, #tpu.memory_space<hbm>>, %arg5: memref<2x5000x128xf32, #tpu.memory_space<hbm>>, %arg6: memref<157x128xi32, #tpu.memory_space<vmem>>, %arg7: memref<157x128xi32, #tpu.memory_space<vmem>>, %arg8: memref<16xi32, #tpu.memory_space<vmem>>, %arg9: memref<128x128xf32, #tpu.memory_space<vmem>>, %arg10: memref<128x128xf32, #tpu.memory_space<vmem>>, %arg11: memref<128x128xf32, #tpu.memory_space<vmem>>, %arg12: memref<5008x128xf32, #tpu.memory_space<vmem_shared>>, %arg13: memref<!tpu.dma_semaphore, #tpu.memory_space<semaphore_mem>>, %arg14: memref<!tpu.dma_semaphore, #tpu.memory_space<semaphore_mem>>, %arg15: memref<!tpu.dma_semaphore, #tpu.memory_space<semaphore_mem>>, %arg16: memref<!tpu.dma_semaphore, #tpu.memory_space<semaphore_mem>>) attributes {dimension_semantics = [#tpu.dimension_semantics<core_parallel>, #tpu.dimension_semantics<subcore_parallel>], iteration_bounds = array<i64: 2, 16>, scalar_prefetch = 0 : i64, scratch_operands = 11 : i64, tpu.core_type = #tpu.core_type<sc_vector_subcore>, window_params = [{transform_indices = #map}, {transform_indices = #map1}, {transform_indices = #map}, {transform_indices = #map1}]} {
    %lt3A = arith.constant 15 : i32
    %lt3A_0 = arith.cmpi slt, %arg1, %lt3A : i32
    %convert_element_type3A = arith.extui %lt3A_0 : i1 to i32
    %cond3A = arith.constant 0 : i32
    %cond3A_1 = arith.cmpi ne, %convert_element_type3A, %cond3A : i32
    scf.if %cond3A_1 {
      %mul3A_242 = arith.constant 320 : i32
      %mul3A_243 = arith.muli %arg1, %mul3A_242 : i32
      %dma_start3A = arith.constant 0 : i32
      %dma_start3A_244 = tpu.memref_slice %arg12[%mul3A_243, %dma_start3A] : memref<5008x128xf32, #tpu.memory_space<vmem_shared>> -> memref<320x128xf32, #tpu.memory_space<vmem_shared>>
      tpu.enqueue_dma source(%arg4 : memref<320x128xf32, #tpu.memory_space<hbm>>) target(%dma_start3A_244 : memref<320x128xf32, #tpu.memory_space<vmem_shared>>) target_semaphore(%arg16 : memref<!tpu.dma_semaphore, #tpu.memory_space<semaphore_mem>>)
    } else {
    }
    %eq3A = arith.constant 15 : i32
    %eq3A_2 = arith.cmpi eq, %arg1, %eq3A : i32
    %convert_element_type3A_3 = arith.extui %eq3A_2 : i1 to i32
    %cond3A_4 = arith.constant 0 : i32
    %cond3A_5 = arith.cmpi ne, %convert_element_type3A_3, %cond3A_4 : i32
    scf.if %cond3A_5 {
      %dma_start3A = arith.constant 4800 : i32
      %dma_start3A_242 = arith.constant 0 : i32
      %dma_start3A_243 = tpu.memref_slice %arg12[%dma_start3A, %dma_start3A_242] : memref<5008x128xf32, #tpu.memory_space<vmem_shared>> -> memref<208x128xf32, #tpu.memory_space<vmem_shared>>
      %dma_start3A_244 = arith.constant 0 : i32
      %dma_start3A_245 = arith.constant 0 : i32
      %dma_start3A_246 = tpu.memref_slice %arg4[%dma_start3A_244, %dma_start3A_245] : memref<320x128xf32, #tpu.memory_space<hbm>> -> memref<208x128xf32, #tpu.memory_space<hbm>>
      tpu.enqueue_dma source(%dma_start3A_246 : memref<208x128xf32, #tpu.memory_space<hbm>>) target(%dma_start3A_243 : memref<208x128xf32, #tpu.memory_space<vmem_shared>>) target_semaphore(%arg16 : memref<!tpu.dma_semaphore, #tpu.memory_space<semaphore_mem>>)
    } else {
    }
    "tpu.region"() ({
      %run_scoped3A = tpu.sem_alloc : memref<!tpu.dma_semaphore, #tpu.memory_space<semaphore_mem>>
      %dma_start3A = arith.constant 0 : i32
      %dma_start3A_242 = arith.constant 0 : i32
      %dma_start3A_243 = tpu.memref_slice %arg3[%arg1, %dma_start3A, %dma_start3A_242] : memref<16x157x128xi32, #tpu.memory_space<hbm>> -> memref<1x157x128xi32, #tpu.memory_space<hbm>>
      %dma_start3A_244 = tpu.memref_squeeze %dma_start3A_243 : memref<1x157x128xi32, #tpu.memory_space<hbm>> -> memref<157x128xi32, #tpu.memory_space<hbm>>
      %dma_start3A_245 = arith.constant 0 : i32
      %dma_start3A_246 = arith.constant 0 : i32
      %dma_start3A_247 = tpu.memref_slice %arg3[%arg1, %dma_start3A_245, %dma_start3A_246] : memref<16x157x128xi32, #tpu.memory_space<hbm>> -> memref<1x157x128xi32, #tpu.memory_space<hbm>>
      %dma_start3A_248 = tpu.memref_squeeze %dma_start3A_247 : memref<1x157x128xi32, #tpu.memory_space<hbm>> -> memref<157x128xi32, #tpu.memory_space<hbm>>
      tpu.enqueue_dma source(%dma_start3A_248 : memref<157x128xi32, #tpu.memory_space<hbm>>) target(%arg6 : memref<157x128xi32, #tpu.memory_space<vmem>>) target_semaphore(%run_scoped3A : memref<!tpu.dma_semaphore, #tpu.memory_space<semaphore_mem>>)
      %dma_wait3A = arith.constant 0 : i32
      %dma_wait3A_249 = arith.constant 0 : i32
      %dma_wait3A_250 = tpu.memref_slice %arg3[%arg1, %dma_wait3A, %dma_wait3A_249] : memref<16x157x128xi32, #tpu.memory_space<hbm>> -> memref<1x157x128xi32, #tpu.memory_space<hbm>>
      %dma_wait3A_251 = tpu.memref_squeeze %dma_wait3A_250 : memref<1x157x128xi32, #tpu.memory_space<hbm>> -> memref<157x128xi32, #tpu.memory_space<hbm>>
      %dma_wait3A_252 = arith.constant 0 : i32
      %dma_wait3A_253 = arith.constant 0 : i32
      %dma_wait3A_254 = tpu.memref_slice %arg3[%arg1, %dma_wait3A_252, %dma_wait3A_253] : memref<16x157x128xi32, #tpu.memory_space<hbm>> -> memref<1x157x128xi32, #tpu.memory_space<hbm>>
      %dma_wait3A_255 = tpu.memref_squeeze %dma_wait3A_254 : memref<1x157x128xi32, #tpu.memory_space<hbm>> -> memref<157x128xi32, #tpu.memory_space<hbm>>
      tpu.wait_dma2 semaphore(%run_scoped3A : memref<!tpu.dma_semaphore, #tpu.memory_space<semaphore_mem>>) src(%dma_wait3A_255 : memref<157x128xi32, #tpu.memory_space<hbm>>) dst(%arg6 : memref<157x128xi32, #tpu.memory_space<vmem>>)
      tpu.yield
    }) : () -> ()
    %mul3A = arith.constant 5000 : i32
    %mul3A_6 = arith.muli %arg0, %mul3A : i32
    %iota3A = tpu.iota {dimensions = array<i32: 0>} : vector<16xi32>
    %broadcast_in_dim3A = arith.constant 0 : i32
    %broadcast_in_dim3A_7 = vector.broadcast %broadcast_in_dim3A : i32 to vector<16xi32>
    %shift_left3A = arith.constant 17 : i32
    %shift_left3A_8 = arith.shli %mul3A_6, %shift_left3A : i32
    %scan3A = arith.constant 0 : i32
    %scan3A_9 = arith.constant 1256 : i32
    %scan3A_10 = arith.addi %scan3A, %scan3A_9 : i32
    %scan3A_11 = arith.constant 1 : i32
    %scan3A_12 = scf.for %scan3A_242 = %scan3A to %scan3A_10 step %scan3A_11 iter_args(%scan3A_243 = %broadcast_in_dim3A_7) -> (vector<16xi32>)  : i32 {
      %jit3A_244 = arith.constant 8 : i32
      %div3A_245 = arith.divsi %scan3A_242, %jit3A_244 : i32
      %sign3A_246 = arith.constant 0 : i32
      %sign3A_247 = arith.cmpi sgt, %scan3A_242, %sign3A_246 : i32
      %sign3A_248 = arith.extui %sign3A_247 : i1 to i32
      %sign3A_249 = arith.constant 0 : i32
      %sign3A_250 = arith.cmpi slt, %scan3A_242, %sign3A_249 : i32
      %sign3A_251 = arith.extui %sign3A_250 : i1 to i32
      %sign3A_252 = arith.subi %sign3A_248, %sign3A_251 : i32
      %sign3A_253 = arith.constant 0 : i32
      %sign3A_254 = arith.cmpi sgt, %jit3A_244, %sign3A_253 : i32
      %sign3A_255 = arith.extui %sign3A_254 : i1 to i32
      %sign3A_256 = arith.constant 0 : i32
      %sign3A_257 = arith.cmpi slt, %jit3A_244, %sign3A_256 : i32
      %sign3A_258 = arith.extui %sign3A_257 : i1 to i32
      %sign3A_259 = arith.subi %sign3A_255, %sign3A_258 : i32
      %ne3A_260 = arith.cmpi ne, %sign3A_252, %sign3A_259 : i32
      %rem3A_261 = arith.remsi %scan3A_242, %jit3A_244 : i32
      %ne3A_262 = arith.constant 0 : i32
      %ne3A_263 = arith.cmpi ne, %rem3A_261, %ne3A_262 : i32
      %and3A_264 = arith.andi %ne3A_260, %ne3A_263 : i1
      %sub3A_265 = arith.constant 1 : i32
      %sub3A_266 = arith.subi %div3A_245, %sub3A_265 : i32
      %select_n3A_267 = arith.select %and3A_264, %sub3A_266, %div3A_245 : i32
      %jit3A_268 = arith.constant 8 : i32
      %eq3A_269 = arith.constant 0 : i32
      %eq3A_270 = arith.cmpi eq, %jit3A_268, %eq3A_269 : i32
      %jit3A_271 = arith.constant 1 : i32
      %select_n3A_272 = arith.select %eq3A_270, %jit3A_271, %jit3A_268 : i32
      %rem3A_273 = arith.remsi %scan3A_242, %select_n3A_272 : i32
      %ne3A_274 = arith.constant 0 : i32
      %ne3A_275 = arith.cmpi ne, %rem3A_273, %ne3A_274 : i32
      %lt3A_276 = arith.constant 0 : i32
      %lt3A_277 = arith.cmpi slt, %rem3A_273, %lt3A_276 : i32
      %lt3A_278 = arith.constant 0 : i32
      %lt3A_279 = arith.cmpi slt, %select_n3A_272, %lt3A_278 : i32
      %ne3A_280 = arith.xori %lt3A_277, %lt3A_279 : i1
      %and3A_281 = arith.andi %ne3A_280, %ne3A_275 : i1
      %add3A_282 = arith.addi %rem3A_273, %select_n3A_272 : i32
      %select_n3A_283 = arith.select %and3A_281, %add3A_282, %rem3A_273 : i32
      %mul3A_284 = arith.constant 16 : i32
      %mul3A_285 = arith.muli %select_n3A_283, %mul3A_284 : i32
      %get3A_286 = arith.index_cast %select_n3A_267 : i32 to index
      %get3A_287 = arith.index_cast %mul3A_285 : i32 to index
      %get3A_288 = tpu.vector_load %arg6[%get3A_286, %get3A_287] {strides = array<i32>} : memref<157x128xi32, #tpu.memory_space<vmem>>, vector<16xi32>,
      %shift_right_arithmetic3A_289 = arith.constant 17 : i32
      %shift_right_arithmetic3A_290 = vector.broadcast %shift_right_arithmetic3A_289 : i32 to vector<16xi32>
      %shift_right_arithmetic3A_291 = arith.shrsi %get3A_288, %shift_right_arithmetic3A_290 : vector<16xi32>
      %sub3A_292 = vector.broadcast %mul3A_6 : i32 to vector<16xi32>
      %sub3A_293 = arith.subi %shift_right_arithmetic3A_291, %sub3A_292 : vector<16xi32>
      %ge3A = arith.constant 0 : i32
      %ge3A_294 = vector.broadcast %ge3A : i32 to vector<16xi32>
      %ge3A_295 = arith.cmpi sge, %sub3A_293, %ge3A_294 : vector<16xi32>
      %lt3A_296 = arith.constant 5000 : i32
      %lt3A_297 = vector.broadcast %lt3A_296 : i32 to vector<16xi32>
      %lt3A_298 = arith.cmpi slt, %sub3A_293, %lt3A_297 : vector<16xi32>
      %and3A_299 = arith.andi %ge3A_295, %lt3A_298 : vector<16xi1>
      %all_reduce_population_count3A = tpu.all_reduce %and3A_299 {dim = 0 : i64, kind = #tpu.reduction_kind<sum>} : vector<16xi1> -> vector<16xi32>
      %lt3A_300 = arith.cmpi slt, %iota3A, %all_reduce_population_count3A : vector<16xi32>
      %add3A_301 = arith.addi %scan3A_243, %iota3A : vector<16xi32>
      %shift_right_arithmetic3A_302 = arith.constant 7 : i32
      %shift_right_arithmetic3A_303 = vector.broadcast %shift_right_arithmetic3A_302 : i32 to vector<16xi32>
      %shift_right_arithmetic3A_304 = arith.shrsi %add3A_301, %shift_right_arithmetic3A_303 : vector<16xi32>
      %and3A_305 = arith.constant 127 : i32
      %and3A_306 = vector.broadcast %and3A_305 : i32 to vector<16xi32>
      %and3A_307 = arith.andi %add3A_301, %and3A_306 : vector<16xi32>
      %sub3A_308 = vector.broadcast %shift_left3A_8 : i32 to vector<16xi32>
      %sub3A_309 = arith.subi %get3A_288, %sub3A_308 : vector<16xi32>
      %swap3A_310 = arith.constant 0 : index
      %swap3A_311 = tpu.vector_load %arg8[%swap3A_310] masked %and3A_299 {strides = array<i32>} : memref<16xi32, #tpu.memory_space<vmem>>, vector<16xi32>, vector<16xi1>
      tpu.vector_store %arg8[%swap3A_310], %sub3A_309 masked %and3A_299 {strides = array<i32>} : memref<16xi32, #tpu.memory_space<vmem>>, vector<16xi32>, vector<16xi1>
      %get3A_312 = arith.constant 0 : index
      %get3A_313 = tpu.vector_load %arg8[%get3A_312] {strides = array<i32>} : memref<16xi32, #tpu.memory_space<vmem>>, vector<16xi32>,
      %and3A_314 = arith.constant 131071 : i32
      %and3A_315 = vector.broadcast %and3A_314 : i32 to vector<16xi32>
      %and3A_316 = arith.andi %get3A_313, %and3A_315 : vector<16xi32>
      tpu.vector_store_idx %arg6[%shift_right_arithmetic3A_304, %and3A_307], %and3A_316 masked %lt3A_300 : memref<157x128xi32, #tpu.memory_space<vmem>>[vector<16xi32>, vector<16xi32>], vector<16xi32>, vector<16xi1>
      %shift_right_arithmetic3A_317 = arith.constant 17 : i32
      %shift_right_arithmetic3A_318 = vector.broadcast %shift_right_arithmetic3A_317 : i32 to vector<16xi32>
      %shift_right_arithmetic3A_319 = arith.shrsi %get3A_313, %shift_right_arithmetic3A_318 : vector<16xi32>
      tpu.vector_store_idx %arg7[%shift_right_arithmetic3A_304, %and3A_307], %shift_right_arithmetic3A_319 masked %lt3A_300 : memref<157x128xi32, #tpu.memory_space<vmem>>[vector<16xi32>, vector<16xi32>], vector<16xi32>, vector<16xi1>
      %add3A_320 = arith.addi %scan3A_243, %all_reduce_population_count3A : vector<16xi32>
      scf.yield %add3A_320 : vector<16xi32>
    }
    %scan3A_13 = arith.constant 1256 : i32
    %swap3A = arith.constant 0 : index
    %swap3A_14 = tpu.vector_load %arg8[%swap3A] {strides = array<i32>} : memref<16xi32, #tpu.memory_space<vmem>>, vector<16xi32>,
    tpu.vector_store %arg8[%swap3A], %scan3A_12 {strides = array<i32>} : memref<16xi32, #tpu.memory_space<vmem>>, vector<16xi32>,
    %get3A = arith.constant 0 : index
    %get3A_15 = tpu.vector_load %arg8[%get3A] {strides = array<i32>} : memref<16xi32, #tpu.memory_space<vmem>>, vector<16xi32>,
    %slice3A = vector.extract_strided_slice %get3A_15 {offsets = [0], sizes = [1], strides = [1]} : vector<16xi32> to vector<1xi32>
    %squeeze3A = vector.extract %slice3A[0] : i32 from vector<1xi32>
    %add3A = arith.constant 128 : i32
    %add3A_16 = arith.addi %squeeze3A, %add3A : i32
    %sub3A = arith.constant 1 : i32
    %sub3A_17 = arith.subi %add3A_16, %sub3A : i32
    %jit3A = arith.constant 128 : i32
    %div3A = arith.divsi %sub3A_17, %jit3A : i32
    %sign3A = arith.constant 0 : i32
    %sign3A_18 = arith.cmpi sgt, %sub3A_17, %sign3A : i32
    %sign3A_19 = arith.extui %sign3A_18 : i1 to i32
    %sign3A_20 = arith.constant 0 : i32
    %sign3A_21 = arith.cmpi slt, %sub3A_17, %sign3A_20 : i32
    %sign3A_22 = arith.extui %sign3A_21 : i1 to i32
    %sign3A_23 = arith.subi %sign3A_19, %sign3A_22 : i32
    %sign3A_24 = arith.constant 0 : i32
    %sign3A_25 = arith.cmpi sgt, %jit3A, %sign3A_24 : i32
    %sign3A_26 = arith.extui %sign3A_25 : i1 to i32
    %sign3A_27 = arith.constant 0 : i32
    %sign3A_28 = arith.cmpi slt, %jit3A, %sign3A_27 : i32
    %sign3A_29 = arith.extui %sign3A_28 : i1 to i32
    %sign3A_30 = arith.subi %sign3A_26, %sign3A_29 : i32
    %ne3A = arith.cmpi ne, %sign3A_23, %sign3A_30 : i32
    %rem3A = arith.remsi %sub3A_17, %jit3A : i32
    %ne3A_31 = arith.constant 0 : i32
    %ne3A_32 = arith.cmpi ne, %rem3A, %ne3A_31 : i32
    %and3A = arith.andi %ne3A, %ne3A_32 : i1
    %sub3A_33 = arith.constant 1 : i32
    %sub3A_34 = arith.subi %div3A, %sub3A_33 : i32
    %select_n3A = arith.select %and3A, %sub3A_34, %div3A : i32
    %mul3A_35 = arith.constant 128 : i32
    %mul3A_36 = arith.muli %select_n3A, %mul3A_35 : i32
    %broadcast_in_dim3A_37 = arith.constant 0 : i32
    %broadcast_in_dim3A_38 = vector.broadcast %broadcast_in_dim3A_37 : i32 to vector<16xi32>
    %broadcast_in_dim3A_39 = arith.constant 5000 : i32
    %broadcast_in_dim3A_40 = vector.broadcast %broadcast_in_dim3A_39 : i32 to vector<16xi32>
    %add3A_41 = arith.constant 0 : i32
    %add3A_42 = arith.addi %squeeze3A, %add3A_41 : i32
    %add3A_43 = vector.broadcast %add3A_42 : i32 to vector<16xi32>
    %add3A_44 = arith.addi %add3A_43, %iota3A : vector<16xi32>
    %lt3A_45 = vector.broadcast %mul3A_36 : i32 to vector<16xi32>
    %lt3A_46 = arith.cmpi slt, %add3A_44, %lt3A_45 : vector<16xi32>
    %shift_right_arithmetic3A = arith.constant 7 : i32
    %shift_right_arithmetic3A_47 = vector.broadcast %shift_right_arithmetic3A : i32 to vector<16xi32>
    %shift_right_arithmetic3A_48 = arith.shrsi %add3A_44, %shift_right_arithmetic3A_47 : vector<16xi32>
    %and3A_49 = arith.constant 127 : i32
    %and3A_50 = vector.broadcast %and3A_49 : i32 to vector<16xi32>
    %and3A_51 = arith.andi %add3A_44, %and3A_50 : vector<16xi32>
    tpu.vector_store_idx %arg6[%shift_right_arithmetic3A_48, %and3A_51], %broadcast_in_dim3A_38 masked %lt3A_46 : memref<157x128xi32, #tpu.memory_space<vmem>>[vector<16xi32>, vector<16xi32>], vector<16xi32>, vector<16xi1>
    tpu.vector_store_idx %arg7[%shift_right_arithmetic3A_48, %and3A_51], %broadcast_in_dim3A_40 masked %lt3A_46 : memref<157x128xi32, #tpu.memory_space<vmem>>[vector<16xi32>, vector<16xi32>], vector<16xi32>, vector<16xi1>
    %add3A_52 = arith.constant 16 : i32
    %add3A_53 = arith.addi %squeeze3A, %add3A_52 : i32
    %add3A_54 = vector.broadcast %add3A_53 : i32 to vector<16xi32>
    %add3A_55 = arith.addi %add3A_54, %iota3A : vector<16xi32>
    %lt3A_56 = vector.broadcast %mul3A_36 : i32 to vector<16xi32>
    %lt3A_57 = arith.cmpi slt, %add3A_55, %lt3A_56 : vector<16xi32>
    %shift_right_arithmetic3A_58 = arith.constant 7 : i32
    %shift_right_arithmetic3A_59 = vector.broadcast %shift_right_arithmetic3A_58 : i32 to vector<16xi32>
    %shift_right_arithmetic3A_60 = arith.shrsi %add3A_55, %shift_right_arithmetic3A_59 : vector<16xi32>
    %and3A_61 = arith.constant 127 : i32
    %and3A_62 = vector.broadcast %and3A_61 : i32 to vector<16xi32>
    %and3A_63 = arith.andi %add3A_55, %and3A_62 : vector<16xi32>
    tpu.vector_store_idx %arg6[%shift_right_arithmetic3A_60, %and3A_63], %broadcast_in_dim3A_38 masked %lt3A_57 : memref<157x128xi32, #tpu.memory_space<vmem>>[vector<16xi32>, vector<16xi32>], vector<16xi32>, vector<16xi1>
    tpu.vector_store_idx %arg7[%shift_right_arithmetic3A_60, %and3A_63], %broadcast_in_dim3A_40 masked %lt3A_57 : memref<157x128xi32, #tpu.memory_space<vmem>>[vector<16xi32>, vector<16xi32>], vector<16xi32>, vector<16xi1>
    %add3A_64 = arith.constant 32 : i32
    %add3A_65 = arith.addi %squeeze3A, %add3A_64 : i32
    %add3A_66 = vector.broadcast %add3A_65 : i32 to vector<16xi32>
    %add3A_67 = arith.addi %add3A_66, %iota3A : vector<16xi32>
    %lt3A_68 = vector.broadcast %mul3A_36 : i32 to vector<16xi32>
    %lt3A_69 = arith.cmpi slt, %add3A_67, %lt3A_68 : vector<16xi32>
    %shift_right_arithmetic3A_70 = arith.constant 7 : i32
    %shift_right_arithmetic3A_71 = vector.broadcast %shift_right_arithmetic3A_70 : i32 to vector<16xi32>
    %shift_right_arithmetic3A_72 = arith.shrsi %add3A_67, %shift_right_arithmetic3A_71 : vector<16xi32>
    %and3A_73 = arith.constant 127 : i32
    %and3A_74 = vector.broadcast %and3A_73 : i32 to vector<16xi32>
    %and3A_75 = arith.andi %add3A_67, %and3A_74 : vector<16xi32>
    tpu.vector_store_idx %arg6[%shift_right_arithmetic3A_72, %and3A_75], %broadcast_in_dim3A_38 masked %lt3A_69 : memref<157x128xi32, #tpu.memory_space<vmem>>[vector<16xi32>, vector<16xi32>], vector<16xi32>, vector<16xi1>
    tpu.vector_store_idx %arg7[%shift_right_arithmetic3A_72, %and3A_75], %broadcast_in_dim3A_40 masked %lt3A_69 : memref<157x128xi32, #tpu.memory_space<vmem>>[vector<16xi32>, vector<16xi32>], vector<16xi32>, vector<16xi1>
    %add3A_76 = arith.constant 48 : i32
    %add3A_77 = arith.addi %squeeze3A, %add3A_76 : i32
    %add3A_78 = vector.broadcast %add3A_77 : i32 to vector<16xi32>
    %add3A_79 = arith.addi %add3A_78, %iota3A : vector<16xi32>
    %lt3A_80 = vector.broadcast %mul3A_36 : i32 to vector<16xi32>
    %lt3A_81 = arith.cmpi slt, %add3A_79, %lt3A_80 : vector<16xi32>
    %shift_right_arithmetic3A_82 = arith.constant 7 : i32
    %shift_right_arithmetic3A_83 = vector.broadcast %shift_right_arithmetic3A_82 : i32 to vector<16xi32>
    %shift_right_arithmetic3A_84 = arith.shrsi %add3A_79, %shift_right_arithmetic3A_83 : vector<16xi32>
    %and3A_85 = arith.constant 127 : i32
    %and3A_86 = vector.broadcast %and3A_85 : i32 to vector<16xi32>
    %and3A_87 = arith.andi %add3A_79, %and3A_86 : vector<16xi32>
    tpu.vector_store_idx %arg6[%shift_right_arithmetic3A_84, %and3A_87], %broadcast_in_dim3A_38 masked %lt3A_81 : memref<157x128xi32, #tpu.memory_space<vmem>>[vector<16xi32>, vector<16xi32>], vector<16xi32>, vector<16xi1>
    tpu.vector_store_idx %arg7[%shift_right_arithmetic3A_84, %and3A_87], %broadcast_in_dim3A_40 masked %lt3A_81 : memref<157x128xi32, #tpu.memory_space<vmem>>[vector<16xi32>, vector<16xi32>], vector<16xi32>, vector<16xi1>
    %add3A_88 = arith.constant 64 : i32
    %add3A_89 = arith.addi %squeeze3A, %add3A_88 : i32
    %add3A_90 = vector.broadcast %add3A_89 : i32 to vector<16xi32>
    %add3A_91 = arith.addi %add3A_90, %iota3A : vector<16xi32>
    %lt3A_92 = vector.broadcast %mul3A_36 : i32 to vector<16xi32>
    %lt3A_93 = arith.cmpi slt, %add3A_91, %lt3A_92 : vector<16xi32>
    %shift_right_arithmetic3A_94 = arith.constant 7 : i32
    %shift_right_arithmetic3A_95 = vector.broadcast %shift_right_arithmetic3A_94 : i32 to vector<16xi32>
    %shift_right_arithmetic3A_96 = arith.shrsi %add3A_91, %shift_right_arithmetic3A_95 : vector<16xi32>
    %and3A_97 = arith.constant 127 : i32
    %and3A_98 = vector.broadcast %and3A_97 : i32 to vector<16xi32>
    %and3A_99 = arith.andi %add3A_91, %and3A_98 : vector<16xi32>
    tpu.vector_store_idx %arg6[%shift_right_arithmetic3A_96, %and3A_99], %broadcast_in_dim3A_38 masked %lt3A_93 : memref<157x128xi32, #tpu.memory_space<vmem>>[vector<16xi32>, vector<16xi32>], vector<16xi32>, vector<16xi1>
    tpu.vector_store_idx %arg7[%shift_right_arithmetic3A_96, %and3A_99], %broadcast_in_dim3A_40 masked %lt3A_93 : memref<157x128xi32, #tpu.memory_space<vmem>>[vector<16xi32>, vector<16xi32>], vector<16xi32>, vector<16xi1>
    %add3A_100 = arith.constant 80 : i32
    %add3A_101 = arith.addi %squeeze3A, %add3A_100 : i32
    %add3A_102 = vector.broadcast %add3A_101 : i32 to vector<16xi32>
    %add3A_103 = arith.addi %add3A_102, %iota3A : vector<16xi32>
    %lt3A_104 = vector.broadcast %mul3A_36 : i32 to vector<16xi32>
    %lt3A_105 = arith.cmpi slt, %add3A_103, %lt3A_104 : vector<16xi32>
    %shift_right_arithmetic3A_106 = arith.constant 7 : i32
    %shift_right_arithmetic3A_107 = vector.broadcast %shift_right_arithmetic3A_106 : i32 to vector<16xi32>
    %shift_right_arithmetic3A_108 = arith.shrsi %add3A_103, %shift_right_arithmetic3A_107 : vector<16xi32>
    %and3A_109 = arith.constant 127 : i32
    %and3A_110 = vector.broadcast %and3A_109 : i32 to vector<16xi32>
    %and3A_111 = arith.andi %add3A_103, %and3A_110 : vector<16xi32>
    tpu.vector_store_idx %arg6[%shift_right_arithmetic3A_108, %and3A_111], %broadcast_in_dim3A_38 masked %lt3A_105 : memref<157x128xi32, #tpu.memory_space<vmem>>[vector<16xi32>, vector<16xi32>], vector<16xi32>, vector<16xi1>
    tpu.vector_store_idx %arg7[%shift_right_arithmetic3A_108, %and3A_111], %broadcast_in_dim3A_40 masked %lt3A_105 : memref<157x128xi32, #tpu.memory_space<vmem>>[vector<16xi32>, vector<16xi32>], vector<16xi32>, vector<16xi1>
    %add3A_112 = arith.constant 96 : i32
    %add3A_113 = arith.addi %squeeze3A, %add3A_112 : i32
    %add3A_114 = vector.broadcast %add3A_113 : i32 to vector<16xi32>
    %add3A_115 = arith.addi %add3A_114, %iota3A : vector<16xi32>
    %lt3A_116 = vector.broadcast %mul3A_36 : i32 to vector<16xi32>
    %lt3A_117 = arith.cmpi slt, %add3A_115, %lt3A_116 : vector<16xi32>
    %shift_right_arithmetic3A_118 = arith.constant 7 : i32
    %shift_right_arithmetic3A_119 = vector.broadcast %shift_right_arithmetic3A_118 : i32 to vector<16xi32>
    %shift_right_arithmetic3A_120 = arith.shrsi %add3A_115, %shift_right_arithmetic3A_119 : vector<16xi32>
    %and3A_121 = arith.constant 127 : i32
    %and3A_122 = vector.broadcast %and3A_121 : i32 to vector<16xi32>
    %and3A_123 = arith.andi %add3A_115, %and3A_122 : vector<16xi32>
    tpu.vector_store_idx %arg6[%shift_right_arithmetic3A_120, %and3A_123], %broadcast_in_dim3A_38 masked %lt3A_117 : memref<157x128xi32, #tpu.memory_space<vmem>>[vector<16xi32>, vector<16xi32>], vector<16xi32>, vector<16xi1>
    tpu.vector_store_idx %arg7[%shift_right_arithmetic3A_120, %and3A_123], %broadcast_in_dim3A_40 masked %lt3A_117 : memref<157x128xi32, #tpu.memory_space<vmem>>[vector<16xi32>, vector<16xi32>], vector<16xi32>, vector<16xi1>
    %add3A_124 = arith.constant 112 : i32
    %add3A_125 = arith.addi %squeeze3A, %add3A_124 : i32
    %add3A_126 = vector.broadcast %add3A_125 : i32 to vector<16xi32>
    %add3A_127 = arith.addi %add3A_126, %iota3A : vector<16xi32>
    %lt3A_128 = vector.broadcast %mul3A_36 : i32 to vector<16xi32>
    %lt3A_129 = arith.cmpi slt, %add3A_127, %lt3A_128 : vector<16xi32>
    %shift_right_arithmetic3A_130 = arith.constant 7 : i32
    %shift_right_arithmetic3A_131 = vector.broadcast %shift_right_arithmetic3A_130 : i32 to vector<16xi32>
    %shift_right_arithmetic3A_132 = arith.shrsi %add3A_127, %shift_right_arithmetic3A_131 : vector<16xi32>
    %and3A_133 = arith.constant 127 : i32
    %and3A_134 = vector.broadcast %and3A_133 : i32 to vector<16xi32>
    %and3A_135 = arith.andi %add3A_127, %and3A_134 : vector<16xi32>
    tpu.vector_store_idx %arg6[%shift_right_arithmetic3A_132, %and3A_135], %broadcast_in_dim3A_38 masked %lt3A_129 : memref<157x128xi32, #tpu.memory_space<vmem>>[vector<16xi32>, vector<16xi32>], vector<16xi32>, vector<16xi1>
    tpu.vector_store_idx %arg7[%shift_right_arithmetic3A_132, %and3A_135], %broadcast_in_dim3A_40 masked %lt3A_129 : memref<157x128xi32, #tpu.memory_space<vmem>>[vector<16xi32>, vector<16xi32>], vector<16xi32>, vector<16xi1>
    %lt3A_136 = arith.constant 15 : i32
    %lt3A_137 = arith.cmpi slt, %arg1, %lt3A_136 : i32
    %convert_element_type3A_138 = arith.extui %lt3A_137 : i1 to i32
    %cond3A_139 = arith.constant 0 : i32
    %cond3A_140 = arith.cmpi ne, %convert_element_type3A_138, %cond3A_139 : i32
    scf.if %cond3A_140 {
      %mul3A_242 = arith.constant 320 : i32
      %mul3A_243 = arith.muli %arg1, %mul3A_242 : i32
      %dma_wait3A = arith.constant 0 : i32
      %dma_wait3A_244 = tpu.memref_slice %arg12[%mul3A_243, %dma_wait3A] : memref<5008x128xf32, #tpu.memory_space<vmem_shared>> -> memref<320x128xf32, #tpu.memory_space<vmem_shared>>
      tpu.wait_dma2 semaphore(%arg16 : memref<!tpu.dma_semaphore, #tpu.memory_space<semaphore_mem>>) src(%arg4 : memref<320x128xf32, #tpu.memory_space<hbm>>) dst(%dma_wait3A_244 : memref<320x128xf32, #tpu.memory_space<vmem_shared>>)
    } else {
    }
    %eq3A_141 = arith.constant 15 : i32
    %eq3A_142 = arith.cmpi eq, %arg1, %eq3A_141 : i32
    %convert_element_type3A_143 = arith.extui %eq3A_142 : i1 to i32
    %cond3A_144 = arith.constant 0 : i32
    %cond3A_145 = arith.cmpi ne, %convert_element_type3A_143, %cond3A_144 : i32
    scf.if %cond3A_145 {
      %dma_wait3A = arith.constant 4800 : i32
      %dma_wait3A_242 = arith.constant 0 : i32
      %dma_wait3A_243 = tpu.memref_slice %arg12[%dma_wait3A, %dma_wait3A_242] : memref<5008x128xf32, #tpu.memory_space<vmem_shared>> -> memref<208x128xf32, #tpu.memory_space<vmem_shared>>
      %dma_wait3A_244 = arith.constant 0 : i32
      %dma_wait3A_245 = arith.constant 0 : i32
      %dma_wait3A_246 = tpu.memref_slice %arg4[%dma_wait3A_244, %dma_wait3A_245] : memref<320x128xf32, #tpu.memory_space<hbm>> -> memref<208x128xf32, #tpu.memory_space<hbm>>
      tpu.wait_dma2 semaphore(%arg16 : memref<!tpu.dma_semaphore, #tpu.memory_space<semaphore_mem>>) src(%dma_wait3A_246 : memref<208x128xf32, #tpu.memory_space<hbm>>) dst(%dma_wait3A_243 : memref<208x128xf32, #tpu.memory_space<vmem_shared>>)
    } else {
    }
    %barrier3A = arith.constant 0 : index
    tpu.barrier barrier_id(%barrier3A)
    %gt3A = arith.constant 0 : i32
    %gt3A_146 = arith.cmpi sgt, %select_n3A, %gt3A : i32
    %convert_element_type3A_147 = arith.extui %gt3A_146 : i1 to i32
    %cond3A_148 = arith.constant 0 : i32
    %cond3A_149 = arith.cmpi ne, %convert_element_type3A_147, %cond3A_148 : i32
    scf.if %cond3A_149 {
      %dma_start3A = arith.constant 0 : i32
      %dma_start3A_242 = arith.constant 0 : i32
      %dma_start3A_243 = tpu.memref_slice %arg6[%dma_start3A, %dma_start3A_242] : memref<157x128xi32, #tpu.memory_space<vmem>> -> memref<1x128xi32, #tpu.memory_space<vmem>>
      %dma_start3A_244 = tpu.memref_squeeze %dma_start3A_243 : memref<1x128xi32, #tpu.memory_space<vmem>> -> memref<128xi32, #tpu.memory_space<vmem>>
      %dma_start3A_245 = arith.constant 0 : i32
      %dma_start3A_246 = arith.constant 0 : i32
      %dma_start3A_247 = tpu.memref_slice %arg2[%dma_start3A_245, %dma_start3A_246] : memref<80000x128xf32, #tpu.memory_space<hbm>> -> memref<80000x128xf32, #tpu.memory_space<hbm>>
      tpu.enqueue_indirect_dma source(%dma_start3A_247 : memref<80000x128xf32, #tpu.memory_space<hbm>>) target(%arg9 : memref<128x128xf32, #tpu.memory_space<vmem>>) offsets(%dma_start3A_244 : memref<128xi32, #tpu.memory_space<vmem>>) semaphore(%arg13 : memref<!tpu.dma_semaphore, #tpu.memory_space<semaphore_mem>>)
    } else {
    }
    %gt3A_150 = arith.constant 1 : i32
    %gt3A_151 = arith.cmpi sgt, %select_n3A, %gt3A_150 : i32
    %convert_element_type3A_152 = arith.extui %gt3A_151 : i1 to i32
    %cond3A_153 = arith.constant 0 : i32
    %cond3A_154 = arith.cmpi ne, %convert_element_type3A_152, %cond3A_153 : i32
    scf.if %cond3A_154 {
      %dma_start3A = arith.constant 1 : i32
      %dma_start3A_242 = arith.constant 0 : i32
      %dma_start3A_243 = tpu.memref_slice %arg6[%dma_start3A, %dma_start3A_242] : memref<157x128xi32, #tpu.memory_space<vmem>> -> memref<1x128xi32, #tpu.memory_space<vmem>>
      %dma_start3A_244 = tpu.memref_squeeze %dma_start3A_243 : memref<1x128xi32, #tpu.memory_space<vmem>> -> memref<128xi32, #tpu.memory_space<vmem>>
      %dma_start3A_245 = arith.constant 0 : i32
      %dma_start3A_246 = arith.constant 0 : i32
      %dma_start3A_247 = tpu.memref_slice %arg2[%dma_start3A_245, %dma_start3A_246] : memref<80000x128xf32, #tpu.memory_space<hbm>> -> memref<80000x128xf32, #tpu.memory_space<hbm>>
      tpu.enqueue_indirect_dma source(%dma_start3A_247 : memref<80000x128xf32, #tpu.memory_space<hbm>>) target(%arg10 : memref<128x128xf32, #tpu.memory_space<vmem>>) offsets(%dma_start3A_244 : memref<128xi32, #tpu.memory_space<vmem>>) semaphore(%arg14 : memref<!tpu.dma_semaphore, #tpu.memory_space<semaphore_mem>>)
    } else {
    }
    %gt3A_155 = arith.constant 0 : i32
    %gt3A_156 = arith.cmpi sgt, %select_n3A, %gt3A_155 : i32
    %convert_element_type3A_157 = arith.extui %gt3A_156 : i1 to i32
    %cond3A_158 = arith.constant 0 : i32
    %cond3A_159 = arith.cmpi ne, %convert_element_type3A_157, %cond3A_158 : i32
    scf.if %cond3A_159 {
      %dma_wait3A = arith.constant 0 : i32
      %dma_wait3A_242 = arith.constant 0 : i32
      %dma_wait3A_243 = tpu.memref_slice %arg6[%dma_wait3A, %dma_wait3A_242] : memref<157x128xi32, #tpu.memory_space<vmem>> -> memref<1x128xi32, #tpu.memory_space<vmem>>
      %dma_wait3A_244 = tpu.memref_squeeze %dma_wait3A_243 : memref<1x128xi32, #tpu.memory_space<vmem>> -> memref<128xi32, #tpu.memory_space<vmem>>
      %dma_wait3A_245 = arith.constant 0 : i32
      %dma_wait3A_246 = arith.constant 0 : i32
      %dma_wait3A_247 = tpu.memref_slice %arg2[%dma_wait3A_245, %dma_wait3A_246] : memref<80000x128xf32, #tpu.memory_space<hbm>> -> memref<80000x128xf32, #tpu.memory_space<hbm>>
      tpu.wait_indirect_dma semaphore(%arg13 : memref<!tpu.dma_semaphore, #tpu.memory_space<semaphore_mem>>) src(%dma_wait3A_247 : memref<80000x128xf32, #tpu.memory_space<hbm>>) dst(%arg9 : memref<128x128xf32, #tpu.memory_space<vmem>>)
      %dma_start3A = arith.constant 0 : i32
      %dma_start3A_248 = arith.constant 0 : i32
      %dma_start3A_249 = tpu.memref_slice %arg7[%dma_start3A, %dma_start3A_248] : memref<157x128xi32, #tpu.memory_space<vmem>> -> memref<1x128xi32, #tpu.memory_space<vmem>>
      %dma_start3A_250 = tpu.memref_squeeze %dma_start3A_249 : memref<1x128xi32, #tpu.memory_space<vmem>> -> memref<128xi32, #tpu.memory_space<vmem>>
      %dma_start3A_251 = arith.constant 0 : i32
      %dma_start3A_252 = arith.constant 0 : i32
      %dma_start3A_253 = tpu.memref_slice %arg12[%dma_start3A_251, %dma_start3A_252] : memref<5008x128xf32, #tpu.memory_space<vmem_shared>> -> memref<5008x128xf32, #tpu.memory_space<vmem_shared>>
      tpu.enqueue_indirect_dma source(%arg9 : memref<128x128xf32, #tpu.memory_space<vmem>>) target(%dma_start3A_253 : memref<5008x128xf32, #tpu.memory_space<vmem_shared>>) offsets(%dma_start3A_250 : memref<128xi32, #tpu.memory_space<vmem>>) semaphore(%arg13 : memref<!tpu.dma_semaphore, #tpu.memory_space<semaphore_mem>>) {add = true}
    } else {
    }
    %gt3A_160 = arith.constant 2 : i32
    %gt3A_161 = arith.cmpi sgt, %select_n3A, %gt3A_160 : i32
    %convert_element_type3A_162 = arith.extui %gt3A_161 : i1 to i32
    %cond3A_163 = arith.constant 0 : i32
    %cond3A_164 = arith.cmpi ne, %convert_element_type3A_162, %cond3A_163 : i32
    scf.if %cond3A_164 {
      %dma_start3A = arith.constant 2 : i32
      %dma_start3A_242 = arith.constant 0 : i32
      %dma_start3A_243 = tpu.memref_slice %arg6[%dma_start3A, %dma_start3A_242] : memref<157x128xi32, #tpu.memory_space<vmem>> -> memref<1x128xi32, #tpu.memory_space<vmem>>
      %dma_start3A_244 = tpu.memref_squeeze %dma_start3A_243 : memref<1x128xi32, #tpu.memory_space<vmem>> -> memref<128xi32, #tpu.memory_space<vmem>>
      %dma_start3A_245 = arith.constant 0 : i32
      %dma_start3A_246 = arith.constant 0 : i32
      %dma_start3A_247 = tpu.memref_slice %arg2[%dma_start3A_245, %dma_start3A_246] : memref<80000x128xf32, #tpu.memory_space<hbm>> -> memref<80000x128xf32, #tpu.memory_space<hbm>>
      tpu.enqueue_indirect_dma source(%dma_start3A_247 : memref<80000x128xf32, #tpu.memory_space<hbm>>) target(%arg11 : memref<128x128xf32, #tpu.memory_space<vmem>>) offsets(%dma_start3A_244 : memref<128xi32, #tpu.memory_space<vmem>>) semaphore(%arg15 : memref<!tpu.dma_semaphore, #tpu.memory_space<semaphore_mem>>)
    } else {
    }
    %gt3A_165 = arith.constant 1 : i32
    %gt3A_166 = arith.cmpi sgt, %select_n3A, %gt3A_165 : i32
    %convert_element_type3A_167 = arith.extui %gt3A_166 : i1 to i32
    %cond3A_168 = arith.constant 0 : i32
    %cond3A_169 = arith.cmpi ne, %convert_element_type3A_167, %cond3A_168 : i32
    scf.if %cond3A_169 {
      %dma_wait3A = arith.constant 1 : i32
      %dma_wait3A_242 = arith.constant 0 : i32
      %dma_wait3A_243 = tpu.memref_slice %arg6[%dma_wait3A, %dma_wait3A_242] : memref<157x128xi32, #tpu.memory_space<vmem>> -> memref<1x128xi32, #tpu.memory_space<vmem>>
      %dma_wait3A_244 = tpu.memref_squeeze %dma_wait3A_243 : memref<1x128xi32, #tpu.memory_space<vmem>> -> memref<128xi32, #tpu.memory_space<vmem>>
      %dma_wait3A_245 = arith.constant 0 : i32
      %dma_wait3A_246 = arith.constant 0 : i32
      %dma_wait3A_247 = tpu.memref_slice %arg2[%dma_wait3A_245, %dma_wait3A_246] : memref<80000x128xf32, #tpu.memory_space<hbm>> -> memref<80000x128xf32, #tpu.memory_space<hbm>>
      tpu.wait_indirect_dma semaphore(%arg14 : memref<!tpu.dma_semaphore, #tpu.memory_space<semaphore_mem>>) src(%dma_wait3A_247 : memref<80000x128xf32, #tpu.memory_space<hbm>>) dst(%arg10 : memref<128x128xf32, #tpu.memory_space<vmem>>)
      %dma_start3A = arith.constant 1 : i32
      %dma_start3A_248 = arith.constant 0 : i32
      %dma_start3A_249 = tpu.memref_slice %arg7[%dma_start3A, %dma_start3A_248] : memref<157x128xi32, #tpu.memory_space<vmem>> -> memref<1x128xi32, #tpu.memory_space<vmem>>
      %dma_start3A_250 = tpu.memref_squeeze %dma_start3A_249 : memref<1x128xi32, #tpu.memory_space<vmem>> -> memref<128xi32, #tpu.memory_space<vmem>>
      %dma_start3A_251 = arith.constant 0 : i32
      %dma_start3A_252 = arith.constant 0 : i32
      %dma_start3A_253 = tpu.memref_slice %arg12[%dma_start3A_251, %dma_start3A_252] : memref<5008x128xf32, #tpu.memory_space<vmem_shared>> -> memref<5008x128xf32, #tpu.memory_space<vmem_shared>>
      tpu.enqueue_indirect_dma source(%arg10 : memref<128x128xf32, #tpu.memory_space<vmem>>) target(%dma_start3A_253 : memref<5008x128xf32, #tpu.memory_space<vmem_shared>>) offsets(%dma_start3A_250 : memref<128xi32, #tpu.memory_space<vmem>>) semaphore(%arg14 : memref<!tpu.dma_semaphore, #tpu.memory_space<semaphore_mem>>) {add = true}
    } else {
    }
    %gt3A_170 = arith.constant 0 : i32
    %gt3A_171 = arith.cmpi sgt, %select_n3A, %gt3A_170 : i32
    %convert_element_type3A_172 = arith.extui %gt3A_171 : i1 to i32
    %cond3A_173 = arith.constant 0 : i32
    %cond3A_174 = arith.cmpi ne, %convert_element_type3A_172, %cond3A_173 : i32
    scf.if %cond3A_174 {
      %dma_wait3A = arith.constant 0 : i32
      %dma_wait3A_242 = arith.constant 0 : i32
      %dma_wait3A_243 = tpu.memref_slice %arg7[%dma_wait3A, %dma_wait3A_242] : memref<157x128xi32, #tpu.memory_space<vmem>> -> memref<1x128xi32, #tpu.memory_space<vmem>>
      %dma_wait3A_244 = tpu.memref_squeeze %dma_wait3A_243 : memref<1x128xi32, #tpu.memory_space<vmem>> -> memref<128xi32, #tpu.memory_space<vmem>>
      %dma_wait3A_245 = arith.constant 0 : i32
      %dma_wait3A_246 = arith.constant 0 : i32
      %dma_wait3A_247 = tpu.memref_slice %arg12[%dma_wait3A_245, %dma_wait3A_246] : memref<5008x128xf32, #tpu.memory_space<vmem_shared>> -> memref<5008x128xf32, #tpu.memory_space<vmem_shared>>
      tpu.wait_indirect_dma semaphore(%arg13 : memref<!tpu.dma_semaphore, #tpu.memory_space<semaphore_mem>>) src(%arg9 : memref<128x128xf32, #tpu.memory_space<vmem>>) dst(%dma_wait3A_247 : memref<5008x128xf32, #tpu.memory_space<vmem_shared>>)
    } else {
    }
    %gt3A_175 = arith.constant 3 : i32
    %gt3A_176 = arith.cmpi sgt, %select_n3A, %gt3A_175 : i32
    %convert_element_type3A_177 = arith.extui %gt3A_176 : i1 to i32
    %cond3A_178 = arith.constant 0 : i32
    %cond3A_179 = arith.cmpi ne, %convert_element_type3A_177, %cond3A_178 : i32
    scf.if %cond3A_179 {
      %dma_start3A = arith.constant 3 : i32
      %dma_start3A_242 = arith.constant 0 : i32
      %dma_start3A_243 = tpu.memref_slice %arg6[%dma_start3A, %dma_start3A_242] : memref<157x128xi32, #tpu.memory_space<vmem>> -> memref<1x128xi32, #tpu.memory_space<vmem>>
      %dma_start3A_244 = tpu.memref_squeeze %dma_start3A_243 : memref<1x128xi32, #tpu.memory_space<vmem>> -> memref<128xi32, #tpu.memory_space<vmem>>
      %dma_start3A_245 = arith.constant 0 : i32
      %dma_start3A_246 = arith.constant 0 : i32
      %dma_start3A_247 = tpu.memref_slice %arg2[%dma_start3A_245, %dma_start3A_246] : memref<80000x128xf32, #tpu.memory_space<hbm>> -> memref<80000x128xf32, #tpu.memory_space<hbm>>
      tpu.enqueue_indirect_dma source(%dma_start3A_247 : memref<80000x128xf32, #tpu.memory_space<hbm>>) target(%arg9 : memref<128x128xf32, #tpu.memory_space<vmem>>) offsets(%dma_start3A_244 : memref<128xi32, #tpu.memory_space<vmem>>) semaphore(%arg13 : memref<!tpu.dma_semaphore, #tpu.memory_space<semaphore_mem>>)
    } else {
    }
    %scan3A_180 = arith.constant 0 : i32
    %scan3A_181 = arith.constant 0 : i32
    %scan3A_182 = arith.constant 51 : i32
    %scan3A_183 = arith.addi %scan3A_181, %scan3A_182 : i32
    %scan3A_184 = arith.constant 1 : i32
    scf.for %scan3A_242 = %scan3A_181 to %scan3A_183 step %scan3A_184  : i32 {
      %mul3A_243 = arith.constant 3 : i32
      %mul3A_244 = arith.muli %mul3A_243, %scan3A_242 : i32
      %add3A_245 = arith.constant 2 : i32
      %add3A_246 = arith.addi %mul3A_244, %add3A_245 : i32
      %add3A_247 = arith.constant 0 : i32
      %add3A_248 = arith.addi %add3A_246, %add3A_247 : i32
      %lt3A_249 = arith.cmpi slt, %add3A_248, %select_n3A : i32
      %convert_element_type3A_250 = arith.extui %lt3A_249 : i1 to i32
      %cond3A_251 = arith.constant 0 : i32
      %cond3A_252 = arith.cmpi ne, %convert_element_type3A_250, %cond3A_251 : i32
      scf.if %cond3A_252 {
        %dma_wait3A = arith.constant 0 : i32
        %dma_wait3A_301 = tpu.memref_slice %arg6[%add3A_248, %dma_wait3A] : memref<157x128xi32, #tpu.memory_space<vmem>> -> memref<1x128xi32, #tpu.memory_space<vmem>>
        %dma_wait3A_302 = tpu.memref_squeeze %dma_wait3A_301 : memref<1x128xi32, #tpu.memory_space<vmem>> -> memref<128xi32, #tpu.memory_space<vmem>>
        %dma_wait3A_303 = arith.constant 0 : i32
        %dma_wait3A_304 = arith.constant 0 : i32
        %dma_wait3A_305 = tpu.memref_slice %arg2[%dma_wait3A_303, %dma_wait3A_304] : memref<80000x128xf32, #tpu.memory_space<hbm>> -> memref<80000x128xf32, #tpu.memory_space<hbm>>
        tpu.wait_indirect_dma semaphore(%arg15 : memref<!tpu.dma_semaphore, #tpu.memory_space<semaphore_mem>>) src(%dma_wait3A_305 : memref<80000x128xf32, #tpu.memory_space<hbm>>) dst(%arg11 : memref<128x128xf32, #tpu.memory_space<vmem>>)
        %dma_start3A = arith.constant 0 : i32
        %dma_start3A_306 = tpu.memref_slice %arg7[%add3A_248, %dma_start3A] : memref<157x128xi32, #tpu.memory_space<vmem>> -> memref<1x128xi32, #tpu.memory_space<vmem>>
        %dma_start3A_307 = tpu.memref_squeeze %dma_start3A_306 : memref<1x128xi32, #tpu.memory_space<vmem>> -> memref<128xi32, #tpu.memory_space<vmem>>
        %dma_start3A_308 = arith.constant 0 : i32
        %dma_start3A_309 = arith.constant 0 : i32
        %dma_start3A_310 = tpu.memref_slice %arg12[%dma_start3A_308, %dma_start3A_309] : memref<5008x128xf32, #tpu.memory_space<vmem_shared>> -> memref<5008x128xf32, #tpu.memory_space<vmem_shared>>
        tpu.enqueue_indirect_dma source(%arg11 : memref<128x128xf32, #tpu.memory_space<vmem>>) target(%dma_start3A_310 : memref<5008x128xf32, #tpu.memory_space<vmem_shared>>) offsets(%dma_start3A_307 : memref<128xi32, #tpu.memory_space<vmem>>) semaphore(%arg15 : memref<!tpu.dma_semaphore, #tpu.memory_space<semaphore_mem>>) {add = true}
      } else {
      }
      %sub3A_253 = arith.constant 1 : i32
      %sub3A_254 = arith.subi %add3A_248, %sub3A_253 : i32
      %lt3A_255 = arith.cmpi slt, %sub3A_254, %select_n3A : i32
      %convert_element_type3A_256 = arith.extui %lt3A_255 : i1 to i32
      %cond3A_257 = arith.constant 0 : i32
      %cond3A_258 = arith.cmpi ne, %convert_element_type3A_256, %cond3A_257 : i32
      scf.if %cond3A_258 {
        %dma_wait3A = arith.constant 0 : i32
        %dma_wait3A_301 = tpu.memref_slice %arg7[%sub3A_254, %dma_wait3A] : memref<157x128xi32, #tpu.memory_space<vmem>> -> memref<1x128xi32, #tpu.memory_space<vmem>>
        %dma_wait3A_302 = tpu.memref_squeeze %dma_wait3A_301 : memref<1x128xi32, #tpu.memory_space<vmem>> -> memref<128xi32, #tpu.memory_space<vmem>>
        %dma_wait3A_303 = arith.constant 0 : i32
        %dma_wait3A_304 = arith.constant 0 : i32
        %dma_wait3A_305 = tpu.memref_slice %arg12[%dma_wait3A_303, %dma_wait3A_304] : memref<5008x128xf32, #tpu.memory_space<vmem_shared>> -> memref<5008x128xf32, #tpu.memory_space<vmem_shared>>
        tpu.wait_indirect_dma semaphore(%arg14 : memref<!tpu.dma_semaphore, #tpu.memory_space<semaphore_mem>>) src(%arg10 : memref<128x128xf32, #tpu.memory_space<vmem>>) dst(%dma_wait3A_305 : memref<5008x128xf32, #tpu.memory_space<vmem_shared>>)
      } else {
      }
      %add3A_259 = arith.constant 2 : i32
      %add3A_260 = arith.addi %add3A_248, %add3A_259 : i32
      %lt3A_261 = arith.cmpi slt, %add3A_260, %select_n3A : i32
      %convert_element_type3A_262 = arith.extui %lt3A_261 : i1 to i32
      %cond3A_263 = arith.constant 0 : i32
      %cond3A_264 = arith.cmpi ne, %convert_element_type3A_262, %cond3A_263 : i32
      scf.if %cond3A_264 {
        %dma_start3A = arith.constant 0 : i32
        %dma_start3A_301 = tpu.memref_slice %arg6[%add3A_260, %dma_start3A] : memref<157x128xi32, #tpu.memory_space<vmem>> -> memref<1x128xi32, #tpu.memory_space<vmem>>
        %dma_start3A_302 = tpu.memref_squeeze %dma_start3A_301 : memref<1x128xi32, #tpu.memory_space<vmem>> -> memref<128xi32, #tpu.memory_space<vmem>>
        %dma_start3A_303 = arith.constant 0 : i32
        %dma_start3A_304 = arith.constant 0 : i32
        %dma_start3A_305 = tpu.memref_slice %arg2[%dma_start3A_303, %dma_start3A_304] : memref<80000x128xf32, #tpu.memory_space<hbm>> -> memref<80000x128xf32, #tpu.memory_space<hbm>>
        tpu.enqueue_indirect_dma source(%dma_start3A_305 : memref<80000x128xf32, #tpu.memory_space<hbm>>) target(%arg10 : memref<128x128xf32, #tpu.memory_space<vmem>>) offsets(%dma_start3A_302 : memref<128xi32, #tpu.memory_space<vmem>>) semaphore(%arg14 : memref<!tpu.dma_semaphore, #tpu.memory_space<semaphore_mem>>)
      } else {
      }
      %add3A_265 = arith.constant 1 : i32
      %add3A_266 = arith.addi %add3A_246, %add3A_265 : i32
      %lt3A_267 = arith.cmpi slt, %add3A_266, %select_n3A : i32
      %convert_element_type3A_268 = arith.extui %lt3A_267 : i1 to i32
      %cond3A_269 = arith.constant 0 : i32
      %cond3A_270 = arith.cmpi ne, %convert_element_type3A_268, %cond3A_269 : i32
      scf.if %cond3A_270 {
        %dma_wait3A = arith.constant 0 : i32
        %dma_wait3A_301 = tpu.memref_slice %arg6[%add3A_266, %dma_wait3A] : memref<157x128xi32, #tpu.memory_space<vmem>> -> memref<1x128xi32, #tpu.memory_space<vmem>>
        %dma_wait3A_302 = tpu.memref_squeeze %dma_wait3A_301 : memref<1x128xi32, #tpu.memory_space<vmem>> -> memref<128xi32, #tpu.memory_space<vmem>>
        %dma_wait3A_303 = arith.constant 0 : i32
        %dma_wait3A_304 = arith.constant 0 : i32
        %dma_wait3A_305 = tpu.memref_slice %arg2[%dma_wait3A_303, %dma_wait3A_304] : memref<80000x128xf32, #tpu.memory_space<hbm>> -> memref<80000x128xf32, #tpu.memory_space<hbm>>
        tpu.wait_indirect_dma semaphore(%arg13 : memref<!tpu.dma_semaphore, #tpu.memory_space<semaphore_mem>>) src(%dma_wait3A_305 : memref<80000x128xf32, #tpu.memory_space<hbm>>) dst(%arg9 : memref<128x128xf32, #tpu.memory_space<vmem>>)
        %dma_start3A = arith.constant 0 : i32
        %dma_start3A_306 = tpu.memref_slice %arg7[%add3A_266, %dma_start3A] : memref<157x128xi32, #tpu.memory_space<vmem>> -> memref<1x128xi32, #tpu.memory_space<vmem>>
        %dma_start3A_307 = tpu.memref_squeeze %dma_start3A_306 : memref<1x128xi32, #tpu.memory_space<vmem>> -> memref<128xi32, #tpu.memory_space<vmem>>
        %dma_start3A_308 = arith.constant 0 : i32
        %dma_start3A_309 = arith.constant 0 : i32
        %dma_start3A_310 = tpu.memref_slice %arg12[%dma_start3A_308, %dma_start3A_309] : memref<5008x128xf32, #tpu.memory_space<vmem_shared>> -> memref<5008x128xf32, #tpu.memory_space<vmem_shared>>
        tpu.enqueue_indirect_dma source(%arg9 : memref<128x128xf32, #tpu.memory_space<vmem>>) target(%dma_start3A_310 : memref<5008x128xf32, #tpu.memory_space<vmem_shared>>) offsets(%dma_start3A_307 : memref<128xi32, #tpu.memory_space<vmem>>) semaphore(%arg13 : memref<!tpu.dma_semaphore, #tpu.memory_space<semaphore_mem>>) {add = true}
      } else {
      }
      %sub3A_271 = arith.constant 1 : i32
      %sub3A_272 = arith.subi %add3A_266, %sub3A_271 : i32
      %lt3A_273 = arith.cmpi slt, %sub3A_272, %select_n3A : i32
      %convert_element_type3A_274 = arith.extui %lt3A_273 : i1 to i32
      %cond3A_275 = arith.constant 0 : i32
      %cond3A_276 = arith.cmpi ne, %convert_element_type3A_274, %cond3A_275 : i32
      scf.if %cond3A_276 {
        %dma_wait3A = arith.constant 0 : i32
        %dma_wait3A_301 = tpu.memref_slice %arg7[%sub3A_272, %dma_wait3A] : memref<157x128xi32, #tpu.memory_space<vmem>> -> memref<1x128xi32, #tpu.memory_space<vmem>>
        %dma_wait3A_302 = tpu.memref_squeeze %dma_wait3A_301 : memref<1x128xi32, #tpu.memory_space<vmem>> -> memref<128xi32, #tpu.memory_space<vmem>>
        %dma_wait3A_303 = arith.constant 0 : i32
        %dma_wait3A_304 = arith.constant 0 : i32
        %dma_wait3A_305 = tpu.memref_slice %arg12[%dma_wait3A_303, %dma_wait3A_304] : memref<5008x128xf32, #tpu.memory_space<vmem_shared>> -> memref<5008x128xf32, #tpu.memory_space<vmem_shared>>
        tpu.wait_indirect_dma semaphore(%arg15 : memref<!tpu.dma_semaphore, #tpu.memory_space<semaphore_mem>>) src(%arg11 : memref<128x128xf32, #tpu.memory_space<vmem>>) dst(%dma_wait3A_305 : memref<5008x128xf32, #tpu.memory_space<vmem_shared>>)
      } else {
      }
      %add3A_277 = arith.constant 2 : i32
      %add3A_278 = arith.addi %add3A_266, %add3A_277 : i32
      %lt3A_279 = arith.cmpi slt, %add3A_278, %select_n3A : i32
      %convert_element_type3A_280 = arith.extui %lt3A_279 : i1 to i32
      %cond3A_281 = arith.constant 0 : i32
      %cond3A_282 = arith.cmpi ne, %convert_element_type3A_280, %cond3A_281 : i32
      scf.if %cond3A_282 {
        %dma_start3A = arith.constant 0 : i32
        %dma_start3A_301 = tpu.memref_slice %arg6[%add3A_278, %dma_start3A] : memref<157x128xi32, #tpu.memory_space<vmem>> -> memref<1x128xi32, #tpu.memory_space<vmem>>
        %dma_start3A_302 = tpu.memref_squeeze %dma_start3A_301 : memref<1x128xi32, #tpu.memory_space<vmem>> -> memref<128xi32, #tpu.memory_space<vmem>>
        %dma_start3A_303 = arith.constant 0 : i32
        %dma_start3A_304 = arith.constant 0 : i32
        %dma_start3A_305 = tpu.memref_slice %arg2[%dma_start3A_303, %dma_start3A_304] : memref<80000x128xf32, #tpu.memory_space<hbm>> -> memref<80000x128xf32, #tpu.memory_space<hbm>>
        tpu.enqueue_indirect_dma source(%dma_start3A_305 : memref<80000x128xf32, #tpu.memory_space<hbm>>) target(%arg11 : memref<128x128xf32, #tpu.memory_space<vmem>>) offsets(%dma_start3A_302 : memref<128xi32, #tpu.memory_space<vmem>>) semaphore(%arg15 : memref<!tpu.dma_semaphore, #tpu.memory_space<semaphore_mem>>)
      } else {
      }
      %add3A_283 = arith.constant 2 : i32
      %add3A_284 = arith.addi %add3A_246, %add3A_283 : i32
      %lt3A_285 = arith.cmpi slt, %add3A_284, %select_n3A : i32
      %convert_element_type3A_286 = arith.extui %lt3A_285 : i1 to i32
      %cond3A_287 = arith.constant 0 : i32
      %cond3A_288 = arith.cmpi ne, %convert_element_type3A_286, %cond3A_287 : i32
      scf.if %cond3A_288 {
        %dma_wait3A = arith.constant 0 : i32
        %dma_wait3A_301 = tpu.memref_slice %arg6[%add3A_284, %dma_wait3A] : memref<157x128xi32, #tpu.memory_space<vmem>> -> memref<1x128xi32, #tpu.memory_space<vmem>>
        %dma_wait3A_302 = tpu.memref_squeeze %dma_wait3A_301 : memref<1x128xi32, #tpu.memory_space<vmem>> -> memref<128xi32, #tpu.memory_space<vmem>>
        %dma_wait3A_303 = arith.constant 0 : i32
        %dma_wait3A_304 = arith.constant 0 : i32
        %dma_wait3A_305 = tpu.memref_slice %arg2[%dma_wait3A_303, %dma_wait3A_304] : memref<80000x128xf32, #tpu.memory_space<hbm>> -> memref<80000x128xf32, #tpu.memory_space<hbm>>
        tpu.wait_indirect_dma semaphore(%arg14 : memref<!tpu.dma_semaphore, #tpu.memory_space<semaphore_mem>>) src(%dma_wait3A_305 : memref<80000x128xf32, #tpu.memory_space<hbm>>) dst(%arg10 : memref<128x128xf32, #tpu.memory_space<vmem>>)
        %dma_start3A = arith.constant 0 : i32
        %dma_start3A_306 = tpu.memref_slice %arg7[%add3A_284, %dma_start3A] : memref<157x128xi32, #tpu.memory_space<vmem>> -> memref<1x128xi32, #tpu.memory_space<vmem>>
        %dma_start3A_307 = tpu.memref_squeeze %dma_start3A_306 : memref<1x128xi32, #tpu.memory_space<vmem>> -> memref<128xi32, #tpu.memory_space<vmem>>
        %dma_start3A_308 = arith.constant 0 : i32
        %dma_start3A_309 = arith.constant 0 : i32
        %dma_start3A_310 = tpu.memref_slice %arg12[%dma_start3A_308, %dma_start3A_309] : memref<5008x128xf32, #tpu.memory_space<vmem_shared>> -> memref<5008x128xf32, #tpu.memory_space<vmem_shared>>
        tpu.enqueue_indirect_dma source(%arg10 : memref<128x128xf32, #tpu.memory_space<vmem>>) target(%dma_start3A_310 : memref<5008x128xf32, #tpu.memory_space<vmem_shared>>) offsets(%dma_start3A_307 : memref<128xi32, #tpu.memory_space<vmem>>) semaphore(%arg14 : memref<!tpu.dma_semaphore, #tpu.memory_space<semaphore_mem>>) {add = true}
      } else {
      }
      %sub3A_289 = arith.constant 1 : i32
      %sub3A_290 = arith.subi %add3A_284, %sub3A_289 : i32
      %lt3A_291 = arith.cmpi slt, %sub3A_290, %select_n3A : i32
      %convert_element_type3A_292 = arith.extui %lt3A_291 : i1 to i32
      %cond3A_293 = arith.constant 0 : i32
      %cond3A_294 = arith.cmpi ne, %convert_element_type3A_292, %cond3A_293 : i32
      scf.if %cond3A_294 {
        %dma_wait3A = arith.constant 0 : i32
        %dma_wait3A_301 = tpu.memref_slice %arg7[%sub3A_290, %dma_wait3A] : memref<157x128xi32, #tpu.memory_space<vmem>> -> memref<1x128xi32, #tpu.memory_space<vmem>>
        %dma_wait3A_302 = tpu.memref_squeeze %dma_wait3A_301 : memref<1x128xi32, #tpu.memory_space<vmem>> -> memref<128xi32, #tpu.memory_space<vmem>>
        %dma_wait3A_303 = arith.constant 0 : i32
        %dma_wait3A_304 = arith.constant 0 : i32
        %dma_wait3A_305 = tpu.memref_slice %arg12[%dma_wait3A_303, %dma_wait3A_304] : memref<5008x128xf32, #tpu.memory_space<vmem_shared>> -> memref<5008x128xf32, #tpu.memory_space<vmem_shared>>
        tpu.wait_indirect_dma semaphore(%arg13 : memref<!tpu.dma_semaphore, #tpu.memory_space<semaphore_mem>>) src(%arg9 : memref<128x128xf32, #tpu.memory_space<vmem>>) dst(%dma_wait3A_305 : memref<5008x128xf32, #tpu.memory_space<vmem_shared>>)
      } else {
      }
      %add3A_295 = arith.constant 2 : i32
      %add3A_296 = arith.addi %add3A_284, %add3A_295 : i32
      %lt3A_297 = arith.cmpi slt, %add3A_296, %select_n3A : i32
      %convert_element_type3A_298 = arith.extui %lt3A_297 : i1 to i32
      %cond3A_299 = arith.constant 0 : i32
      %cond3A_300 = arith.cmpi ne, %convert_element_type3A_298, %cond3A_299 : i32
      scf.if %cond3A_300 {
        %dma_start3A = arith.constant 0 : i32
        %dma_start3A_301 = tpu.memref_slice %arg6[%add3A_296, %dma_start3A] : memref<157x128xi32, #tpu.memory_space<vmem>> -> memref<1x128xi32, #tpu.memory_space<vmem>>
        %dma_start3A_302 = tpu.memref_squeeze %dma_start3A_301 : memref<1x128xi32, #tpu.memory_space<vmem>> -> memref<128xi32, #tpu.memory_space<vmem>>
        %dma_start3A_303 = arith.constant 0 : i32
        %dma_start3A_304 = arith.constant 0 : i32
        %dma_start3A_305 = tpu.memref_slice %arg2[%dma_start3A_303, %dma_start3A_304] : memref<80000x128xf32, #tpu.memory_space<hbm>> -> memref<80000x128xf32, #tpu.memory_space<hbm>>
        tpu.enqueue_indirect_dma source(%dma_start3A_305 : memref<80000x128xf32, #tpu.memory_space<hbm>>) target(%arg9 : memref<128x128xf32, #tpu.memory_space<vmem>>) offsets(%dma_start3A_302 : memref<128xi32, #tpu.memory_space<vmem>>) semaphore(%arg13 : memref<!tpu.dma_semaphore, #tpu.memory_space<semaphore_mem>>)
      } else {
      }
    }
    %scan3A_185 = arith.constant 51 : i32
    %gt3A_186 = arith.constant 155 : i32
    %gt3A_187 = arith.cmpi sgt, %select_n3A, %gt3A_186 : i32
    %convert_element_type3A_188 = arith.extui %gt3A_187 : i1 to i32
    %cond3A_189 = arith.constant 0 : i32
    %cond3A_190 = arith.cmpi ne, %convert_element_type3A_188, %cond3A_189 : i32
    scf.if %cond3A_190 {
      %dma_wait3A = arith.constant 155 : i32
      %dma_wait3A_242 = arith.constant 0 : i32
      %dma_wait3A_243 = tpu.memref_slice %arg6[%dma_wait3A, %dma_wait3A_242] : memref<157x128xi32, #tpu.memory_space<vmem>> -> memref<1x128xi32, #tpu.memory_space<vmem>>
      %dma_wait3A_244 = tpu.memref_squeeze %dma_wait3A_243 : memref<1x128xi32, #tpu.memory_space<vmem>> -> memref<128xi32, #tpu.memory_space<vmem>>
      %dma_wait3A_245 = arith.constant 0 : i32
      %dma_wait3A_246 = arith.constant 0 : i32
      %dma_wait3A_247 = tpu.memref_slice %arg2[%dma_wait3A_245, %dma_wait3A_246] : memref<80000x128xf32, #tpu.memory_space<hbm>> -> memref<80000x128xf32, #tpu.memory_space<hbm>>
      tpu.wait_indirect_dma semaphore(%arg15 : memref<!tpu.dma_semaphore, #tpu.memory_space<semaphore_mem>>) src(%dma_wait3A_247 : memref<80000x128xf32, #tpu.memory_space<hbm>>) dst(%arg11 : memref<128x128xf32, #tpu.memory_space<vmem>>)
      %dma_start3A = arith.constant 155 : i32
      %dma_start3A_248 = arith.constant 0 : i32
      %dma_start3A_249 = tpu.memref_slice %arg7[%dma_start3A, %dma_start3A_248] : memref<157x128xi32, #tpu.memory_space<vmem>> -> memref<1x128xi32, #tpu.memory_space<vmem>>
      %dma_start3A_250 = tpu.memref_squeeze %dma_start3A_249 : memref<1x128xi32, #tpu.memory_space<vmem>> -> memref<128xi32, #tpu.memory_space<vmem>>
      %dma_start3A_251 = arith.constant 0 : i32
      %dma_start3A_252 = arith.constant 0 : i32
      %dma_start3A_253 = tpu.memref_slice %arg12[%dma_start3A_251, %dma_start3A_252] : memref<5008x128xf32, #tpu.memory_space<vmem_shared>> -> memref<5008x128xf32, #tpu.memory_space<vmem_shared>>
      tpu.enqueue_indirect_dma source(%arg11 : memref<128x128xf32, #tpu.memory_space<vmem>>) target(%dma_start3A_253 : memref<5008x128xf32, #tpu.memory_space<vmem_shared>>) offsets(%dma_start3A_250 : memref<128xi32, #tpu.memory_space<vmem>>) semaphore(%arg15 : memref<!tpu.dma_semaphore, #tpu.memory_space<semaphore_mem>>) {add = true}
    } else {
    }
    %gt3A_191 = arith.constant 154 : i32
    %gt3A_192 = arith.cmpi sgt, %select_n3A, %gt3A_191 : i32
    %convert_element_type3A_193 = arith.extui %gt3A_192 : i1 to i32
    %cond3A_194 = arith.constant 0 : i32
    %cond3A_195 = arith.cmpi ne, %convert_element_type3A_193, %cond3A_194 : i32
    scf.if %cond3A_195 {
      %dma_wait3A = arith.constant 154 : i32
      %dma_wait3A_242 = arith.constant 0 : i32
      %dma_wait3A_243 = tpu.memref_slice %arg7[%dma_wait3A, %dma_wait3A_242] : memref<157x128xi32, #tpu.memory_space<vmem>> -> memref<1x128xi32, #tpu.memory_space<vmem>>
      %dma_wait3A_244 = tpu.memref_squeeze %dma_wait3A_243 : memref<1x128xi32, #tpu.memory_space<vmem>> -> memref<128xi32, #tpu.memory_space<vmem>>
      %dma_wait3A_245 = arith.constant 0 : i32
      %dma_wait3A_246 = arith.constant 0 : i32
      %dma_wait3A_247 = tpu.memref_slice %arg12[%dma_wait3A_245, %dma_wait3A_246] : memref<5008x128xf32, #tpu.memory_space<vmem_shared>> -> memref<5008x128xf32, #tpu.memory_space<vmem_shared>>
      tpu.wait_indirect_dma semaphore(%arg14 : memref<!tpu.dma_semaphore, #tpu.memory_space<semaphore_mem>>) src(%arg10 : memref<128x128xf32, #tpu.memory_space<vmem>>) dst(%dma_wait3A_247 : memref<5008x128xf32, #tpu.memory_space<vmem_shared>>)
    } else {
    }
    %gt3A_196 = arith.constant 157 : i32
    %gt3A_197 = arith.cmpi sgt, %select_n3A, %gt3A_196 : i32
    %convert_element_type3A_198 = arith.extui %gt3A_197 : i1 to i32
    %cond3A_199 = arith.constant 0 : i32
    %cond3A_200 = arith.cmpi ne, %convert_element_type3A_198, %cond3A_199 : i32
    scf.if %cond3A_200 {
      %dma_start3A = arith.constant 157 : i32
      %dma_start3A_242 = arith.constant 0 : i32
      %dma_start3A_243 = tpu.memref_slice %arg6[%dma_start3A, %dma_start3A_242] : memref<157x128xi32, #tpu.memory_space<vmem>> -> memref<1x128xi32, #tpu.memory_space<vmem>>
      %dma_start3A_244 = tpu.memref_squeeze %dma_start3A_243 : memref<1x128xi32, #tpu.memory_space<vmem>> -> memref<128xi32, #tpu.memory_space<vmem>>
      %dma_start3A_245 = arith.constant 0 : i32
      %dma_start3A_246 = arith.constant 0 : i32
      %dma_start3A_247 = tpu.memref_slice %arg2[%dma_start3A_245, %dma_start3A_246] : memref<80000x128xf32, #tpu.memory_space<hbm>> -> memref<80000x128xf32, #tpu.memory_space<hbm>>
      tpu.enqueue_indirect_dma source(%dma_start3A_247 : memref<80000x128xf32, #tpu.memory_space<hbm>>) target(%arg10 : memref<128x128xf32, #tpu.memory_space<vmem>>) offsets(%dma_start3A_244 : memref<128xi32, #tpu.memory_space<vmem>>) semaphore(%arg14 : memref<!tpu.dma_semaphore, #tpu.memory_space<semaphore_mem>>)
    } else {
    }
    %gt3A_201 = arith.constant 156 : i32
    %gt3A_202 = arith.cmpi sgt, %select_n3A, %gt3A_201 : i32
    %convert_element_type3A_203 = arith.extui %gt3A_202 : i1 to i32
    %cond3A_204 = arith.constant 0 : i32
    %cond3A_205 = arith.cmpi ne, %convert_element_type3A_203, %cond3A_204 : i32
    scf.if %cond3A_205 {
      %dma_wait3A = arith.constant 156 : i32
      %dma_wait3A_242 = arith.constant 0 : i32
      %dma_wait3A_243 = tpu.memref_slice %arg6[%dma_wait3A, %dma_wait3A_242] : memref<157x128xi32, #tpu.memory_space<vmem>> -> memref<1x128xi32, #tpu.memory_space<vmem>>
      %dma_wait3A_244 = tpu.memref_squeeze %dma_wait3A_243 : memref<1x128xi32, #tpu.memory_space<vmem>> -> memref<128xi32, #tpu.memory_space<vmem>>
      %dma_wait3A_245 = arith.constant 0 : i32
      %dma_wait3A_246 = arith.constant 0 : i32
      %dma_wait3A_247 = tpu.memref_slice %arg2[%dma_wait3A_245, %dma_wait3A_246] : memref<80000x128xf32, #tpu.memory_space<hbm>> -> memref<80000x128xf32, #tpu.memory_space<hbm>>
      tpu.wait_indirect_dma semaphore(%arg13 : memref<!tpu.dma_semaphore, #tpu.memory_space<semaphore_mem>>) src(%dma_wait3A_247 : memref<80000x128xf32, #tpu.memory_space<hbm>>) dst(%arg9 : memref<128x128xf32, #tpu.memory_space<vmem>>)
      %dma_start3A = arith.constant 156 : i32
      %dma_start3A_248 = arith.constant 0 : i32
      %dma_start3A_249 = tpu.memref_slice %arg7[%dma_start3A, %dma_start3A_248] : memref<157x128xi32, #tpu.memory_space<vmem>> -> memref<1x128xi32, #tpu.memory_space<vmem>>
      %dma_start3A_250 = tpu.memref_squeeze %dma_start3A_249 : memref<1x128xi32, #tpu.memory_space<vmem>> -> memref<128xi32, #tpu.memory_space<vmem>>
      %dma_start3A_251 = arith.constant 0 : i32
      %dma_start3A_252 = arith.constant 0 : i32
      %dma_start3A_253 = tpu.memref_slice %arg12[%dma_start3A_251, %dma_start3A_252] : memref<5008x128xf32, #tpu.memory_space<vmem_shared>> -> memref<5008x128xf32, #tpu.memory_space<vmem_shared>>
      tpu.enqueue_indirect_dma source(%arg9 : memref<128x128xf32, #tpu.memory_space<vmem>>) target(%dma_start3A_253 : memref<5008x128xf32, #tpu.memory_space<vmem_shared>>) offsets(%dma_start3A_250 : memref<128xi32, #tpu.memory_space<vmem>>) semaphore(%arg13 : memref<!tpu.dma_semaphore, #tpu.memory_space<semaphore_mem>>) {add = true}
    } else {
    }
    %gt3A_206 = arith.constant 155 : i32
    %gt3A_207 = arith.cmpi sgt, %select_n3A, %gt3A_206 : i32
    %convert_element_type3A_208 = arith.extui %gt3A_207 : i1 to i32
    %cond3A_209 = arith.constant 0 : i32
    %cond3A_210 = arith.cmpi ne, %convert_element_type3A_208, %cond3A_209 : i32
    scf.if %cond3A_210 {
      %dma_wait3A = arith.constant 155 : i32
      %dma_wait3A_242 = arith.constant 0 : i32
      %dma_wait3A_243 = tpu.memref_slice %arg7[%dma_wait3A, %dma_wait3A_242] : memref<157x128xi32, #tpu.memory_space<vmem>> -> memref<1x128xi32, #tpu.memory_space<vmem>>
      %dma_wait3A_244 = tpu.memref_squeeze %dma_wait3A_243 : memref<1x128xi32, #tpu.memory_space<vmem>> -> memref<128xi32, #tpu.memory_space<vmem>>
      %dma_wait3A_245 = arith.constant 0 : i32
      %dma_wait3A_246 = arith.constant 0 : i32
      %dma_wait3A_247 = tpu.memref_slice %arg12[%dma_wait3A_245, %dma_wait3A_246] : memref<5008x128xf32, #tpu.memory_space<vmem_shared>> -> memref<5008x128xf32, #tpu.memory_space<vmem_shared>>
      tpu.wait_indirect_dma semaphore(%arg15 : memref<!tpu.dma_semaphore, #tpu.memory_space<semaphore_mem>>) src(%arg11 : memref<128x128xf32, #tpu.memory_space<vmem>>) dst(%dma_wait3A_247 : memref<5008x128xf32, #tpu.memory_space<vmem_shared>>)
    } else {
    }
    %gt3A_211 = arith.constant 158 : i32
    %gt3A_212 = arith.cmpi sgt, %select_n3A, %gt3A_211 : i32
    %convert_element_type3A_213 = arith.extui %gt3A_212 : i1 to i32
    %cond3A_214 = arith.constant 0 : i32
    %cond3A_215 = arith.cmpi ne, %convert_element_type3A_213, %cond3A_214 : i32
    scf.if %cond3A_215 {
      %dma_start3A = arith.constant 158 : i32
      %dma_start3A_242 = arith.constant 0 : i32
      %dma_start3A_243 = tpu.memref_slice %arg6[%dma_start3A, %dma_start3A_242] : memref<157x128xi32, #tpu.memory_space<vmem>> -> memref<1x128xi32, #tpu.memory_space<vmem>>
      %dma_start3A_244 = tpu.memref_squeeze %dma_start3A_243 : memref<1x128xi32, #tpu.memory_space<vmem>> -> memref<128xi32, #tpu.memory_space<vmem>>
      %dma_start3A_245 = arith.constant 0 : i32
      %dma_start3A_246 = arith.constant 0 : i32
      %dma_start3A_247 = tpu.memref_slice %arg2[%dma_start3A_245, %dma_start3A_246] : memref<80000x128xf32, #tpu.memory_space<hbm>> -> memref<80000x128xf32, #tpu.memory_space<hbm>>
      tpu.enqueue_indirect_dma source(%dma_start3A_247 : memref<80000x128xf32, #tpu.memory_space<hbm>>) target(%arg11 : memref<128x128xf32, #tpu.memory_space<vmem>>) offsets(%dma_start3A_244 : memref<128xi32, #tpu.memory_space<vmem>>) semaphore(%arg15 : memref<!tpu.dma_semaphore, #tpu.memory_space<semaphore_mem>>)
    } else {
    }
    %gt3A_216 = arith.constant 157 : i32
    %gt3A_217 = arith.cmpi sgt, %select_n3A, %gt3A_216 : i32
    %convert_element_type3A_218 = arith.extui %gt3A_217 : i1 to i32
    %cond3A_219 = arith.constant 0 : i32
    %cond3A_220 = arith.cmpi ne, %convert_element_type3A_218, %cond3A_219 : i32
    scf.if %cond3A_220 {
      %dma_wait3A = arith.constant 157 : i32
      %dma_wait3A_242 = arith.constant 0 : i32
      %dma_wait3A_243 = tpu.memref_slice %arg6[%dma_wait3A, %dma_wait3A_242] : memref<157x128xi32, #tpu.memory_space<vmem>> -> memref<1x128xi32, #tpu.memory_space<vmem>>
      %dma_wait3A_244 = tpu.memref_squeeze %dma_wait3A_243 : memref<1x128xi32, #tpu.memory_space<vmem>> -> memref<128xi32, #tpu.memory_space<vmem>>
      %dma_wait3A_245 = arith.constant 0 : i32
      %dma_wait3A_246 = arith.constant 0 : i32
      %dma_wait3A_247 = tpu.memref_slice %arg2[%dma_wait3A_245, %dma_wait3A_246] : memref<80000x128xf32, #tpu.memory_space<hbm>> -> memref<80000x128xf32, #tpu.memory_space<hbm>>
      tpu.wait_indirect_dma semaphore(%arg14 : memref<!tpu.dma_semaphore, #tpu.memory_space<semaphore_mem>>) src(%dma_wait3A_247 : memref<80000x128xf32, #tpu.memory_space<hbm>>) dst(%arg10 : memref<128x128xf32, #tpu.memory_space<vmem>>)
      %dma_start3A = arith.constant 157 : i32
      %dma_start3A_248 = arith.constant 0 : i32
      %dma_start3A_249 = tpu.memref_slice %arg7[%dma_start3A, %dma_start3A_248] : memref<157x128xi32, #tpu.memory_space<vmem>> -> memref<1x128xi32, #tpu.memory_space<vmem>>
      %dma_start3A_250 = tpu.memref_squeeze %dma_start3A_249 : memref<1x128xi32, #tpu.memory_space<vmem>> -> memref<128xi32, #tpu.memory_space<vmem>>
      %dma_start3A_251 = arith.constant 0 : i32
      %dma_start3A_252 = arith.constant 0 : i32
      %dma_start3A_253 = tpu.memref_slice %arg12[%dma_start3A_251, %dma_start3A_252] : memref<5008x128xf32, #tpu.memory_space<vmem_shared>> -> memref<5008x128xf32, #tpu.memory_space<vmem_shared>>
      tpu.enqueue_indirect_dma source(%arg10 : memref<128x128xf32, #tpu.memory_space<vmem>>) target(%dma_start3A_253 : memref<5008x128xf32, #tpu.memory_space<vmem_shared>>) offsets(%dma_start3A_250 : memref<128xi32, #tpu.memory_space<vmem>>) semaphore(%arg14 : memref<!tpu.dma_semaphore, #tpu.memory_space<semaphore_mem>>) {add = true}
    } else {
    }
    %gt3A_221 = arith.constant 156 : i32
    %gt3A_222 = arith.cmpi sgt, %select_n3A, %gt3A_221 : i32
    %convert_element_type3A_223 = arith.extui %gt3A_222 : i1 to i32
    %cond3A_224 = arith.constant 0 : i32
    %cond3A_225 = arith.cmpi ne, %convert_element_type3A_223, %cond3A_224 : i32
    scf.if %cond3A_225 {
      %dma_wait3A = arith.constant 156 : i32
      %dma_wait3A_242 = arith.constant 0 : i32
      %dma_wait3A_243 = tpu.memref_slice %arg7[%dma_wait3A, %dma_wait3A_242] : memref<157x128xi32, #tpu.memory_space<vmem>> -> memref<1x128xi32, #tpu.memory_space<vmem>>
      %dma_wait3A_244 = tpu.memref_squeeze %dma_wait3A_243 : memref<1x128xi32, #tpu.memory_space<vmem>> -> memref<128xi32, #tpu.memory_space<vmem>>
      %dma_wait3A_245 = arith.constant 0 : i32
      %dma_wait3A_246 = arith.constant 0 : i32
      %dma_wait3A_247 = tpu.memref_slice %arg12[%dma_wait3A_245, %dma_wait3A_246] : memref<5008x128xf32, #tpu.memory_space<vmem_shared>> -> memref<5008x128xf32, #tpu.memory_space<vmem_shared>>
      tpu.wait_indirect_dma semaphore(%arg13 : memref<!tpu.dma_semaphore, #tpu.memory_space<semaphore_mem>>) src(%arg9 : memref<128x128xf32, #tpu.memory_space<vmem>>) dst(%dma_wait3A_247 : memref<5008x128xf32, #tpu.memory_space<vmem_shared>>)
    } else {
    }
    %gt3A_226 = arith.constant 159 : i32
    %gt3A_227 = arith.cmpi sgt, %select_n3A, %gt3A_226 : i32
    %convert_element_type3A_228 = arith.extui %gt3A_227 : i1 to i32
    %cond3A_229 = arith.constant 0 : i32
    %cond3A_230 = arith.cmpi ne, %convert_element_type3A_228, %cond3A_229 : i32
    scf.if %cond3A_230 {
      %dma_start3A = arith.constant 159 : i32
      %dma_start3A_242 = arith.constant 0 : i32
      %dma_start3A_243 = tpu.memref_slice %arg6[%dma_start3A, %dma_start3A_242] : memref<157x128xi32, #tpu.memory_space<vmem>> -> memref<1x128xi32, #tpu.memory_space<vmem>>
      %dma_start3A_244 = tpu.memref_squeeze %dma_start3A_243 : memref<1x128xi32, #tpu.memory_space<vmem>> -> memref<128xi32, #tpu.memory_space<vmem>>
      %dma_start3A_245 = arith.constant 0 : i32
      %dma_start3A_246 = arith.constant 0 : i32
      %dma_start3A_247 = tpu.memref_slice %arg2[%dma_start3A_245, %dma_start3A_246] : memref<80000x128xf32, #tpu.memory_space<hbm>> -> memref<80000x128xf32, #tpu.memory_space<hbm>>
      tpu.enqueue_indirect_dma source(%dma_start3A_247 : memref<80000x128xf32, #tpu.memory_space<hbm>>) target(%arg9 : memref<128x128xf32, #tpu.memory_space<vmem>>) offsets(%dma_start3A_244 : memref<128xi32, #tpu.memory_space<vmem>>) semaphore(%arg13 : memref<!tpu.dma_semaphore, #tpu.memory_space<semaphore_mem>>)
    } else {
    }
    %barrier3A_231 = arith.constant 0 : index
    tpu.barrier barrier_id(%barrier3A_231)
    %lt3A_232 = arith.constant 15 : i32
    %lt3A_233 = arith.cmpi slt, %arg1, %lt3A_232 : i32
    %convert_element_type3A_234 = arith.extui %lt3A_233 : i1 to i32
    %cond3A_235 = arith.constant 0 : i32
    %cond3A_236 = arith.cmpi ne, %convert_element_type3A_234, %cond3A_235 : i32
    scf.if %cond3A_236 {
      %mul3A_242 = arith.constant 320 : i32
      %mul3A_243 = arith.muli %arg1, %mul3A_242 : i32
      %mul3A_244 = arith.constant 320 : i32
      %mul3A_245 = arith.muli %arg1, %mul3A_244 : i32
      "tpu.region"() ({
        %run_scoped3A = tpu.sem_alloc : memref<!tpu.dma_semaphore, #tpu.memory_space<semaphore_mem>>
        %dma_start3A = arith.constant 0 : i32
        %dma_start3A_246 = tpu.memref_slice %arg5[%arg0, %mul3A_245, %dma_start3A] : memref<2x5000x128xf32, #tpu.memory_space<hbm>> -> memref<1x320x128xf32, #tpu.memory_space<hbm>>
        %dma_start3A_247 = tpu.memref_squeeze %dma_start3A_246 : memref<1x320x128xf32, #tpu.memory_space<hbm>> -> memref<320x128xf32, #tpu.memory_space<hbm>>
        %dma_start3A_248 = arith.constant 0 : i32
        %dma_start3A_249 = tpu.memref_slice %arg12[%mul3A_243, %dma_start3A_248] : memref<5008x128xf32, #tpu.memory_space<vmem_shared>> -> memref<320x128xf32, #tpu.memory_space<vmem_shared>>
        tpu.enqueue_dma source(%dma_start3A_249 : memref<320x128xf32, #tpu.memory_space<vmem_shared>>) target(%dma_start3A_247 : memref<320x128xf32, #tpu.memory_space<hbm>>) target_semaphore(%run_scoped3A : memref<!tpu.dma_semaphore, #tpu.memory_space<semaphore_mem>>)
        %dma_wait3A = arith.constant 0 : i32
        %dma_wait3A_250 = tpu.memref_slice %arg5[%arg0, %mul3A_245, %dma_wait3A] : memref<2x5000x128xf32, #tpu.memory_space<hbm>> -> memref<1x320x128xf32, #tpu.memory_space<hbm>>
        %dma_wait3A_251 = tpu.memref_squeeze %dma_wait3A_250 : memref<1x320x128xf32, #tpu.memory_space<hbm>> -> memref<320x128xf32, #tpu.memory_space<hbm>>
        %dma_wait3A_252 = arith.constant 0 : i32
        %dma_wait3A_253 = tpu.memref_slice %arg12[%mul3A_243, %dma_wait3A_252] : memref<5008x128xf32, #tpu.memory_space<vmem_shared>> -> memref<320x128xf32, #tpu.memory_space<vmem_shared>>
        tpu.wait_dma2 semaphore(%run_scoped3A : memref<!tpu.dma_semaphore, #tpu.memory_space<semaphore_mem>>) src(%dma_wait3A_253 : memref<320x128xf32, #tpu.memory_space<vmem_shared>>) dst(%dma_wait3A_251 : memref<320x128xf32, #tpu.memory_space<hbm>>)
        tpu.yield
      }) : () -> ()
    } else {
    }
    %eq3A_237 = arith.constant 15 : i32
    %eq3A_238 = arith.cmpi eq, %arg1, %eq3A_237 : i32
    %convert_element_type3A_239 = arith.extui %eq3A_238 : i1 to i32
    %cond3A_240 = arith.constant 0 : i32
    %cond3A_241 = arith.cmpi ne, %convert_element_type3A_239, %cond3A_240 : i32
    scf.if %cond3A_241 {
      "tpu.region"() ({
        %run_scoped3A = tpu.sem_alloc : memref<!tpu.dma_semaphore, #tpu.memory_space<semaphore_mem>>
        %dma_start3A = arith.constant 4800 : i32
        %dma_start3A_242 = arith.constant 0 : i32
        %dma_start3A_243 = tpu.memref_slice %arg5[%arg0, %dma_start3A, %dma_start3A_242] : memref<2x5000x128xf32, #tpu.memory_space<hbm>> -> memref<1x200x128xf32, #tpu.memory_space<hbm>>
        %dma_start3A_244 = tpu.memref_squeeze %dma_start3A_243 : memref<1x200x128xf32, #tpu.memory_space<hbm>> -> memref<200x128xf32, #tpu.memory_space<hbm>>
        %dma_start3A_245 = arith.constant 4800 : i32
        %dma_start3A_246 = arith.constant 0 : i32
        %dma_start3A_247 = tpu.memref_slice %arg12[%dma_start3A_245, %dma_start3A_246] : memref<5008x128xf32, #tpu.memory_space<vmem_shared>> -> memref<200x128xf32, #tpu.memory_space<vmem_shared>>
        tpu.enqueue_dma source(%dma_start3A_247 : memref<200x128xf32, #tpu.memory_space<vmem_shared>>) target(%dma_start3A_244 : memref<200x128xf32, #tpu.memory_space<hbm>>) target_semaphore(%run_scoped3A : memref<!tpu.dma_semaphore, #tpu.memory_space<semaphore_mem>>)
        %dma_wait3A = arith.constant 4800 : i32
        %dma_wait3A_248 = arith.constant 0 : i32
        %dma_wait3A_249 = tpu.memref_slice %arg5[%arg0, %dma_wait3A, %dma_wait3A_248] : memref<2x5000x128xf32, #tpu.memory_space<hbm>> -> memref<1x200x128xf32, #tpu.memory_space<hbm>>
        %dma_wait3A_250 = tpu.memref_squeeze %dma_wait3A_249 : memref<1x200x128xf32, #tpu.memory_space<hbm>> -> memref<200x128xf32, #tpu.memory_space<hbm>>
        %dma_wait3A_251 = arith.constant 4800 : i32
        %dma_wait3A_252 = arith.constant 0 : i32
        %dma_wait3A_253 = tpu.memref_slice %arg12[%dma_wait3A_251, %dma_wait3A_252] : memref<5008x128xf32, #tpu.memory_space<vmem_shared>> -> memref<200x128xf32, #tpu.memory_space<vmem_shared>>
        tpu.wait_dma2 semaphore(%run_scoped3A : memref<!tpu.dma_semaphore, #tpu.memory_space<semaphore_mem>>) src(%dma_wait3A_253 : memref<200x128xf32, #tpu.memory_space<vmem_shared>>) dst(%dma_wait3A_250 : memref<200x128xf32, #tpu.memory_space<hbm>>)
        tpu.yield
      }) : () -> ()
    } else {
    }
    return
  }
}

module attributes {stable_mosaic.version = 14 : i64} {
  func.func @_mm_body(%arg0: i32, %arg1: i32, %arg2: memref<1000x128xf32, #tpu.memory_space<vmem>>, %arg3: memref<1x128x128xf32, #tpu.memory_space<vmem>>, %arg4: memref<1x1000x128xf32, #tpu.memory_space<vmem>>) attributes {dimension_semantics = [#tpu.dimension_semantics<arbitrary>, #tpu.dimension_semantics<arbitrary>], iteration_bounds = array<i64: 10, 8>, scalar_prefetch = 0 : i64, scratch_operands = 0 : i64, tpu.core_type = #tpu.core_type<tc>, window_params = [{transform_indices = @transform_0, window_bounds = array<i64: 1000, 128>}, {transform_indices = @transform_1, window_bounds = array<i64: 1, 128, 128>}, {transform_indices = @transform_2, window_bounds = array<i64: 1, 1000, 128>}]} {
    %get3A = arith.constant 0 : index
    %get3A_0 = arith.constant 0 : index
    %get3A_1 = vector.load %arg2[%get3A, %get3A_0] : memref<1000x128xf32, #tpu.memory_space<vmem>>, vector<1000x128xf32>
    %get3A_2 = arith.constant 0 : index
    %get3A_3 = arith.constant 0 : index
    %get3A_4 = arith.constant 0 : index
    %get3A_5 = vector.load %arg3[%get3A_2, %get3A_3, %get3A_4] : memref<1x128x128xf32, #tpu.memory_space<vmem>>, vector<1x128x128xf32>
    %get3A_6 = vector.shape_cast %get3A_5 : vector<1x128x128xf32> to vector<128x128xf32>
    %dot_general3A = arith.constant dense<0.000000e+00> : vector<1000x128xf32>
    %dot_general3A_7 = tpu.matmul %get3A_1, %get3A_6, %dot_general3A {dimension_numbers = #tpu.dot_dimension_numbers<[1], [0], [0], [1], [0, 0, 1, 1], [], []>, transpose_lhs_hint = false} : vector<1000x128xf32>, vector<128x128xf32>, vector<1000x128xf32> -> vector<1000x128xf32>
    %swap3A = arith.constant 0 : index
    %swap3A_8 = arith.constant 0 : index
    %swap3A_9 = arith.constant 0 : index
    %swap3A_10 = vector.load %arg4[%swap3A, %swap3A_8, %swap3A_9] : memref<1x1000x128xf32, #tpu.memory_space<vmem>>, vector<1x1000x128xf32>
    %swap3A_11 = vector.shape_cast %swap3A_10 : vector<1x1000x128xf32> to vector<1000x128xf32>
    %swap3A_12 = vector.shape_cast %dot_general3A_7 : vector<1000x128xf32> to vector<1x1000x128xf32>
    tpu.vector_store %arg4[%swap3A, %swap3A_8, %swap3A_9], %swap3A_12 {strides = array<i32>} : memref<1x1000x128xf32, #tpu.memory_space<vmem>>, vector<1x1000x128xf32>,
    return
  }
  func.func @transform_0(%arg0: i32, %arg1: i32) -> (i32, i32) {
    %c0_i32 = arith.constant 0 : i32
    %c0_i32_0 = arith.constant 0 : i32
    return %arg0, %c0_i32 : i32, i32
  }
  func.func @transform_1(%arg0: i32, %arg1: i32) -> (i32, i32, i32) {
    %c0_i32 = arith.constant 0 : i32
    %c0_i32_0 = arith.constant 0 : i32
    %c0_i32_1 = arith.constant 0 : i32
    return %arg1, %c0_i32, %c0_i32_0 : i32, i32, i32
  }
  func.func @transform_2(%arg0: i32, %arg1: i32) -> (i32, i32, i32) {
    %c0_i32 = arith.constant 0 : i32
    %c0_i32_0 = arith.constant 0 : i32
    return %arg1, %arg0, %c0_i32 : i32, i32, i32
  }
}

module attributes {stable_mosaic.version = 14 : i64} {
  func.func @_finish_body(%arg0: i32, %arg1: memref<1x1000x128xf32, #tpu.memory_space<vmem>>, %arg2: memref<1000x128xf32, #tpu.memory_space<vmem>>) attributes {dimension_semantics = [#tpu.dimension_semantics<arbitrary>], iteration_bounds = array<i64: 10>, scalar_prefetch = 0 : i64, scratch_operands = 0 : i64, tpu.core_type = #tpu.core_type<tc>, window_params = [{transform_indices = @transform_0, window_bounds = array<i64: 1, 1000, 128>}, {transform_indices = @transform_1, window_bounds = array<i64: 1000, 128>}]} {
    %get3A = arith.constant 0 : index
    %get3A_0 = arith.constant 0 : index
    %get3A_1 = arith.constant 0 : index
    %get3A_2 = vector.load %arg1[%get3A, %get3A_0, %get3A_1] : memref<1x1000x128xf32, #tpu.memory_space<vmem>>, vector<1x1000x128xf32>
    %get3A_3 = vector.shape_cast %get3A_2 : vector<1x1000x128xf32> to vector<1000x128xf32>
    %max3A = arith.constant 0.000000e+00 : f32
    %max3A_4 = vector.broadcast %max3A : f32 to vector<1000x128xf32>
    %max3A_5 = arith.maximumf %get3A_3, %max3A_4 : vector<1000x128xf32>
    %swap3A = arith.constant 0 : index
    %swap3A_6 = arith.constant 0 : index
    %swap3A_7 = vector.load %arg2[%swap3A, %swap3A_6] : memref<1000x128xf32, #tpu.memory_space<vmem>>, vector<1000x128xf32>
    tpu.vector_store %arg2[%swap3A, %swap3A_6], %max3A_5 {strides = array<i32>} : memref<1000x128xf32, #tpu.memory_space<vmem>>, vector<1000x128xf32>,
    return
  }
  func.func @transform_0(%arg0: i32) -> (i32, i32, i32) {
    %jit3A = arith.constant 5 : i32
    %div3A = arith.divsi %arg0, %jit3A : i32
    %sign3A = arith.constant 0 : i32
    %sign3A_0 = arith.cmpi sgt, %arg0, %sign3A : i32
    %sign3A_1 = arith.extui %sign3A_0 : i1 to i32
    %sign3A_2 = arith.constant 0 : i32
    %sign3A_3 = arith.cmpi slt, %arg0, %sign3A_2 : i32
    %sign3A_4 = arith.extui %sign3A_3 : i1 to i32
    %sign3A_5 = arith.subi %sign3A_1, %sign3A_4 : i32
    %sign3A_6 = arith.constant 0 : i32
    %sign3A_7 = arith.cmpi sgt, %jit3A, %sign3A_6 : i32
    %sign3A_8 = arith.extui %sign3A_7 : i1 to i32
    %sign3A_9 = arith.constant 0 : i32
    %sign3A_10 = arith.cmpi slt, %jit3A, %sign3A_9 : i32
    %sign3A_11 = arith.extui %sign3A_10 : i1 to i32
    %sign3A_12 = arith.subi %sign3A_8, %sign3A_11 : i32
    %ne3A = arith.cmpi ne, %sign3A_5, %sign3A_12 : i32
    %rem3A = arith.remsi %arg0, %jit3A : i32
    %ne3A_13 = arith.constant 0 : i32
    %ne3A_14 = arith.cmpi ne, %rem3A, %ne3A_13 : i32
    %and3A = arith.andi %ne3A, %ne3A_14 : i1
    %sub3A = arith.constant 1 : i32
    %sub3A_15 = arith.subi %div3A, %sub3A : i32
    %select_n3A = arith.select %and3A, %sub3A_15, %div3A : i32
    %jit3A_16 = arith.constant 5 : i32
    %eq3A = arith.constant 0 : i32
    %eq3A_17 = arith.cmpi eq, %jit3A_16, %eq3A : i32
    %jit3A_18 = arith.constant 1 : i32
    %select_n3A_19 = arith.select %eq3A_17, %jit3A_18, %jit3A_16 : i32
    %rem3A_20 = arith.remsi %arg0, %select_n3A_19 : i32
    %ne3A_21 = arith.constant 0 : i32
    %ne3A_22 = arith.cmpi ne, %rem3A_20, %ne3A_21 : i32
    %lt3A = arith.constant 0 : i32
    %lt3A_23 = arith.cmpi slt, %rem3A_20, %lt3A : i32
    %lt3A_24 = arith.constant 0 : i32
    %lt3A_25 = arith.cmpi slt, %select_n3A_19, %lt3A_24 : i32
    %ne3A_26 = arith.xori %lt3A_23, %lt3A_25 : i1
    %and3A_27 = arith.andi %ne3A_26, %ne3A_22 : i1
    %add3A = arith.addi %rem3A_20, %select_n3A_19 : i32
    %select_n3A_28 = arith.select %and3A_27, %add3A, %rem3A_20 : i32
    %c0_i32 = arith.constant 0 : i32
    %c0_i32_29 = arith.constant 0 : i32
    return %select_n3A, %select_n3A_28, %c0_i32 : i32, i32, i32
  }
  func.func @transform_1(%arg0: i32) -> (i32, i32) {
    %c0_i32 = arith.constant 0 : i32
    %c0_i32_0 = arith.constant 0 : i32
    return %arg0, %c0_i32 : i32, i32
  }
}

</mosaic_0001>

<sc_bundles>
// kernel: kernel.5.cloned.1.call-start
scs
__scs_entry_jumppad:
0x0: {  	(pc) =	sbr.rel $0x88, $3  }
0x1: {  	(tag) =	ssettag $0x0;
	lr =	simm.s32 $0x1  }
0x2: {  	[smem:$0x3F9D] =	sst lr;
	_ =	strace $0xD0000000  }
0x3: {  	_ = 	snop  }
0x4: {  	_ = 	snop  }
0x5: {  	_ = 	snop  }
0x6: {  	_ = 	snop  }
0x7: {  	_ = 	snop  }
__scs_overlays_trampoline_lowered:
0x8: {  	[smem:$0x3FAC] =	sst s0  }
0x9: {  	[smem:$0x3FAD] =	sst s1  }
0xa: {  	[smem:$0x3FAE] =	sst s2  }
0xb: {  	[smem:$0x3FAF] =	sst s3  }
0xc: {  	[smem:$0x3FB0] =	sst s4  }
0xd: {  	[smem:$0x3FB1] =	sst s5  }
0xe: {  	[smem:$0x3FB2] =	sst s6  }
0xf: {  	[smem:$0x3FB3] =	sst s7  }
0x10: {  	[smem:$0x3FB4] =	sst s8  }
0x11: {  	[smem:$0x3FB5] =	sst s9;
	s0 =	simm.s32 @!p0 $0x0  }
0x12: {  	s1 =	sld [smem:$0x3F9B];
	s0 =	simm.s32 @p0 $0x1  }
0x13: {  	[smem:$0x3FB6] =	sst s0;
	s0 =	simm.s32 @!p1 $0x0  }
0x14: {  	s2 =	sld [smem:$0x3F9A];
	s0 =	simm.s32 @p1 $0x1  }
0x15: {  	[smem:$0x3FB7] =	sst s0;
	s0 =	simm.s32 @!p2 $0x0  }
0x16: {  	s3 =	sld [smem:$0x3FDB];
	s0 =	simm.s32 @p2 $0x1  }
0x17: {  	s4 =	simm.s32 $0x1BF5;
	[smem:$0x3FB9] =	sst s0  }
0x18: {  	s0 =	sld [smem:$0x3F9C];
	_ =	swait.ge [sflag:s4], $0x0  }
0x19: {  	s7 =	sld [smem:$0x3F9D]  }
0x1a: {  	s8 =	sadd.s32 $0xFFFFE003, lr  }
0x1b: {  	s9 =	sadd.s32 $0xFFFFFEF7, lr;
	s5 =	simm.s32 $0xFFFFFFFF;
	p2 =	slt.u32 s8, $0xFFFFF086  }
0x1c: {  	p1 =	slt.u32 s9, $0xF7A;
	s5 =	simm.s32 @!p2 $0x0  }
0x1d: {  	s5 =	simm.s32 @p1 $0x1;
	p0 =	seq.s32 s7, s2  }
0x1e: {  	s7 =	smul.u32 @!p0 $0xF7A, s2;
	p2 =	seq.s32 @!p0 s5, $0x0  }
0x1f: {  	s9 =	smul.u32 $0xF7A, s1;
	s8 =	simm.s32 @!p0 $0x1BF5;
	p2 =	por !p2, p0  }
0x20: {  	[sflag:s8] =	ssyncset.s32 @!p0 $0xFFFFF086;
	s6 =	sadd.s32 @!p0 s3, s7;
	s7 =	simm.s32 @!p0 $0x108  }
0x21: {  	s3 =	sadd.s32 s3, s9;
	s6 =	sadd.s32 @!p0 $0x88, s6;
	s7 =	simm.s32 @p2 $0x1082  }
0x22: {  	[simem:s7], [sflag:s8] =	dma.local @!p0 [hbm:s6], $0xF7A  }
0x23: {  	s9 =	sor.u32 $0xD0000000, s2;
	s6 =	simm.s32 $0x108;
	_ =	swait.ge @!p0 [sflag:s8], $0x0  }
0x24: {  	s3 =	sadd.s32 $0x88, s3;
	s6 =	simm.s32 @!p1 $0x1082;
	[sflag:s4] =	ssyncset.s32 $0xFFFFF086  }
0x25: {  	[simem:s6], [sflag:s4] =	dma.local [hbm:s3], $0xF7A  }
0x26: {  	[smem:$0x3F9D] =	sst s1;
	(tag) =	ssettag s2;
	_ =	strace s9  }
0x27: {  	s1 =	sld [smem:$0x3FAD]  }
0x28: {  	s2 =	sld [smem:$0x3FAE]  }
0x29: {  	s4 =	sld [smem:$0x3FB0]  }
0x2a: {  	p0 =	seq.s32 s5, $0x0;
	s5 =	sld [smem:$0x3FB1]  }
0x2b: {  	s6 =	sld [smem:$0x3FB2]  }
0x2c: {  	s7 =	sld [smem:$0x3FB3]  }
0x2d: {  	s3 =	simm.s32 $0x108;
	s8 =	sld [smem:$0x3FB4]  }
0x2e: {  	s3 =	simm.s32 @!p0 $0x1082;
	s9 =	sld [smem:$0x3FB5]  }
0x2f: {  	lr =	sadd.s32 s0, s3;
	s0 =	sld [smem:$0x3FAC]  }
0x30: {  	s3 =	sld [smem:$0x3FAF]  }
0x31: {  	[smem:$0x3FB8] =	sst s10  }
0x32: {  	s10 =	sld [smem:$0x3FB6];
	_ =	sdelay $0x3  }
0x33: {  	p0 =	seq.s32 s10, $0x1;
	s10 =	sld [smem:$0x3FB8];
	_ =	sdelay $0x3  }
0x34: {  	[smem:$0x3FB8] =	sst s10  }
0x35: {  	s10 =	sld [smem:$0x3FB7];
	_ =	sdelay $0x3  }
0x36: {  	p1 =	seq.s32 s10, $0x1;
	s10 =	sld [smem:$0x3FB8];
	_ =	sdelay $0x3  }
0x37: {  	[smem:$0x3FB8] =	sst s10  }
0x38: {  	s10 =	sld [smem:$0x3FB9]  }
0x39: {  	_ = 	snop;
	(pc) =	sbr.ind lr, $3  }
0x3a: {  	_ = 	snop  }
0x3b: {  	_ = 	snop  }
0x3c: {  	p2 =	seq.s32 s10, $0x1;
	s10 =	sld [smem:$0x3FB8]  }
0x3d: {  	_ =	shalt  }
0x3e: {  	_ =	shalt  }
0x3f: {  	_ =	shalt  }
0x40: {  	_ =	shalt  }
0x41: {  	_ =	shalt  }
0x42: {  	_ =	shalt  }
0x43: {  	_ =	shalt  }
0x44: {  	_ =	shalt  }
0x45: {  	_ =	shalt  }
0x46: {  	_ =	shalt  }
0x47: {  	_ =	shalt  }
0x48: {  	_ =	shalt  }
0x49: {  	_ =	shalt  }
0x4a: {  	_ =	shalt  }
0x4b: {  	_ =	shalt  }
0x4c: {  	_ =	shalt  }
0x4d: {  	_ =	shalt  }
0x4e: {  	_ =	shalt  }
0x4f: {  	_ =	shalt  }
0x50: {  	_ =	shalt  }
0x51: {  	_ =	shalt  }
0x52: {  	_ =	shalt  }
0x53: {  	_ =	shalt  }
0x54: {  	_ =	shalt  }
0x55: {  	_ =	shalt  }
0x56: {  	_ =	shalt  }
0x57: {  	_ =	shalt  }
0x58: {  	_ =	shalt  }
0x59: {  	_ =	shalt  }
0x5a: {  	_ =	shalt  }
0x5b: {  	_ =	shalt  }
0x5c: {  	_ =	shalt  }
0x5d: {  	_ =	shalt  }
0x5e: {  	_ =	shalt  }
0x5f: {  	_ =	shalt  }
0x60: {  	_ =	shalt  }
0x61: {  	_ =	shalt  }
0x62: {  	_ =	shalt  }
0x63: {  	_ =	shalt  }
0x64: {  	_ =	shalt  }
0x65: {  	_ =	shalt  }
0x66: {  	_ =	shalt  }
0x67: {  	_ =	shalt  }
0x68: {  	_ =	shalt  }
0x69: {  	_ =	shalt  }
0x6a: {  	_ =	shalt  }
0x6b: {  	_ =	shalt  }
0x6c: {  	_ =	shalt  }
0x6d: {  	_ =	shalt  }
0x6e: {  	_ =	shalt  }
0x6f: {  	_ =	shalt  }
0x70: {  	_ =	shalt  }
0x71: {  	_ =	shalt  }
0x72: {  	_ =	shalt  }
0x73: {  	_ =	shalt  }
0x74: {  	_ =	shalt  }
0x75: {  	_ =	shalt  }
0x76: {  	_ =	shalt  }
0x77: {  	_ =	shalt  }
0x78: {  	_ =	shalt  }
0x79: {  	_ =	shalt  }
0x7a: {  	_ =	shalt  }
0x7b: {  	_ =	shalt  }
0x7c: {  	_ =	shalt  }
0x7d: {  	_ =	shalt  }
0x7e: {  	_ =	shalt  }
0x7f: {  	_ =	shalt  }
0x80: {  	_ =	shalt  }
0x81: {  	_ =	shalt  }
0x82: {  	_ =	shalt  }
0x83: {  	_ =	shalt  }
0x84: {  	_ =	shalt  }
0x85: {  	_ =	shalt  }
0x86: {  	_ =	shalt  }
0x87: {  	_ =	shalt  }
.Lfunc_end0:
.L_simem_size_0:
called_computation_lowered:
.L_overlay_start_0:
0x88: {  	s2 =	sld [smem:$0x3FD9]  }
0x89: {  	s3 =	sld [smem:$0x3FFE];
	_ =	sdelay $0x1  }
0x8a: {  	s1 =	srdreg.scid  }
0x8b: {  	s0 =	sand.u32 $0x1, s1  }
0x8c: {  	s17 =	sshll.u32 s0, $0xA;
	s2 =	sadd.s32 s3, s2  }
0x8d: {  	s2 =	sadd.s32 s2, s17  }
0x8e: {  	[smem:$0x3FC4] =	sst s2  }
0x8f: {  	_ = 	snop  }
0x90: {  	s2 =	sld [smem:$0x3FD0];
	(tm) =	ssettm $0x1  }
0x91: {  	s18 =	sld [smem:$0x3FFB];
	_ =	sdelay $0x3  }
0x92: {  	_ =	strace s18  }
0x93: {  	s3 =	sld [smem:$0x3FFC];
	_ =	sdelay $0x3  }
0x94: {  	_ =	strace s3  }
0x95: {  	s3 =	sld [smem:$0x3FFD];
	_ =	sdelay $0x3  }
0x96: {  	_ =	strace s3  }
0x97: {  	_ =	strace $0x8FFFFFFF  }
0x98: {  	s19 =	sld [smem:$0x3FDB];
	_ =	sdelay $0x1  }
0x99: {  	s4 =	simm.s32 $_scs_section_size  }
0x9a: {  	s5 =	simm.s32 $_size__tile_overlayer_lowered;
	s6 =	simm.s32 $_tile_overlayer_lowered  }
0x9b: {  	s22 =	simm.s32 $0x1BFF;
	s21 =	sshll.u32 s6, $0x1;
	s3 =	sadd.s32 s4, s19  }
0x9c: {  	s7 =	simm.s32 $0x0;
	s20 =	sshll.u32 s5, $0x1;
	s5 =	sadd.s32 s21, s3  }
0x9d: {  	[timem:s7], [sflag:s22] =	dma.local [hbm:s5], s20  }
0x9e: {  	_ =	swait.ge [sflag:s22], s20  }
0x9f: {  	s4 =	ssub.s32 $0x0, s20;
	[sflag:s22] =	ssyncset.done $0x0  }
0xa0: {  	[sflag:s22] =	ssyncadd.s32 s4;
	_ =	sdelay $0x1  }
0xa1: {  	s23 =	simm.s32 $0x1B8B  }
0xa2: {  	_ =	swait.ge [sflag:s23], $0x1  }
0xa3: {  	[sflag:s23] =	ssyncset.done $0x0  }
0xa4: {  	s25 =	simm.s32 $0x1B8E;
	s24 =	sld [smem:$0x3FFE];
	[sflag:s23] =	ssyncadd.s32 $0xFFFFFFFF  }
0xa5: {  	s26 =	simm.s32 $execute0_lowered;
	[smem:$0x3FD2] =	sst s25  }
0xa6: {  	s5 =	sshll.u32 s26, $0x1;
	_ =	strace $0x80000046;
	[dreg:$0x1] =	wrdreg $0xFFFFFFFF  }
0xa7: {  	s28 =	simm.s32 $_size_execute0_lowered;
	s3 =	sadd.s32 s3, s5;
	[dreg:$0x0] =	wrdreg $0x0  }
0xa8: {  	s5 =	sshll.u32 s28, $0x1;
	[dreg:$0x2] =	wrdreg s3  }
0xa9: {  	[dreg:$0x3] =	wrdreg s5  }
0xaa: {  	[dreg:$0x4] =	wrdreg $0xC0  }
0xab: {  	_ =	task [dreg:s7], $0x5FFFF  }
0xac: {  	[dreg:$0x1] =	wrdreg $0xFFFFFFFF  }
0xad: {  	[dreg:$0x0] =	wrdreg $0x60  }
0xae: {  	[dreg:$0x2] =	wrdreg s24  }
0xaf: {  	[dreg:$0x3] =	wrdreg s2  }
0xb0: {  	[dreg:$0x4] =	wrdreg $0x160800  }
0xb1: {  	[dreg:$0x5] =	wrdreg $0x9  }
0xb2: {  	_ =	task.clear_ibuf [dreg:s7], $0x6FFFF;
	_ =	strace $0x90000046  }
0xb3: {  	s29 =	simm.s32 $0x9;
	_ =	strace $0x80000048  }
0xb4: {  	_ =	swait.ge [sflag:s29], $0x1  }
0xb5: {  	[sflag:s29] =	ssyncadd.s32 $0xFFFFFFFF  }
0xb6: {  	_ =	strace $0x90000048  }
0xb7: {  	_ =	sfence  }
0xb8: {  	s30 =	sld [smem:$0x0];
	_ =	sdelay $0x2  }
0xb9: {  	s31 =	sshll.u32 s1, $0xD;
	s1 =	sshrl.u32 s1, $0x2  }
0xba: {  	s3 =	sand.u32 $0x4000, s31;
	s1 =	sadd.s32 s1, s30  }
0xbb: {  	s0 =	sor.u32 s3, s0;
	s1 =	sshll.u32 s1, $0x11  }
0xbc: {  	s0 =	sor.u32 s1, s0  }
0xbd: {  	s0 =	sadd.s32 $0x8F2B, s0  }
0xbe: {  	[sflag:s0] =	ssyncadd.remote.s32 $0x1  }
0xbf: {  	_ =	sfence.sel $0xFFFF  }
0xc0: {  	[dreg:$0x0] =	wrdreg $0xFFFFFFFF;
	(pc) =	sbr.abs _section_cstart, $3  }
0xc1: {  	[dreg:$0x1] =	wrdreg $0xFFFFFFFF  }
0xc2: {  	_ =	task.clear_ibuf [dreg:s7], $0x2FFFF;
	_ =	strace $0x9FFFFFFF  }
0xc3: {  	(tm) =	ssettm $0x7FFFFFFF  }
tec
execute0_lowered:
.L_overlay_start_1:
0x0: {  	(tag) =	ssettag $0x1  }
0x1: {  	s0 =	rddreg [dreg:$0x0]  }
0x2: {  	s1 =	rddreg [dreg:$0x1]  }
0x3: {  	s2 =	rddreg [dreg:$0x2];
	s3 =	simm.s32 $0x0;
	s12 =	stileid.u32  }
0x4: {  	s6 =	srdreg.scid;
	s15 =	simm.s32 $0xA000;
	s5 =	smul.u32 $0xA00, s12  }
0x5: {  	s16 =	simm.s32 $0x5000;
	s17 =	simm.s32 $0x1;
	s8 =	smul.u32 $0x28000, s12  }
0x6: {  	s18 =	simm.s32 $0x80;
	s6 =	sand.u32 $0x1, s6;
	s11 =	smul.u32 $0xA000, s12  }
0x7: {  	s22 =	simm.s32 $0x2;
	[smem:$0x7FF] =	sst s3;
	s9 =	smul.u32 $0x9C400, s6  }
0x8: {  	s4 =	sadd.s32 $0xA800, s0;
	p0 =	seq.s32 s12, $0xF;
	s31 =	smul.u32 $0xFFFFEC78, s6  }
0x9: {  	_ =	strace $0x80000047;
	s30 =	ssub.s32 $0x2, s6;
	s6 =	smul.u32 $0xD8F00000, s6  }
0xa: {  	s7 =	sadd.s32 s5, s0;
	s10 =	sshrl.u32 s30, $0x1;
	s8 =	sshrl.u32 s8, $0x2  }
0xb: {  	s5 =	sadd.s32 $0x143000, s0;
	s0 =	ssub.s32 s30, s10;
	s8 =	sadd.s32 s8, s2  }
0xc: {  	s7 =	sadd.s32 $0x800, s7;
	s11 =	sadd.s32 s11, s9;
	s9 =	sshrl.u32 s9, $0x3  }
0xd: {  	[dreg:$0x5] =	wrdreg s7;
	s11 =	sshrl.u32 s11, $0x3;
	s0 =	smax.u32 s0, $0x1  }
.Ltmp0:
0xe: {  	s11 =	sadd.s32 s1, s11;
	[dreg:$0x8] =	wrdreg s0;
	(pc) =	sbr.rel .LBB2_1-.Ltmp0, $4  }
0xf: {  	s1 =	sadd.s32 s1, s9;
	s0 =	sshll.u32 @!p0 s12, $0x6;
	[dreg:$0x6] =	wrdreg s11  }
0x10: {  	s10 =	sadd.s32 $0x96000, s2;
	s1 =	sadd.s32 $0x12C00, s1;
	[dreg:$0x9] =	wrdreg s0  }
0x11: {  	v2 =	vlaneseq.u32;
	v3 =	vimm.s32 $0x0;
	s13 =	sshrl.u32 @!p0 s8, $0x3;
	s0 =	sor.u32 @!p0 $0x1C04, s0;
	[dreg:$0x7] =	wrdreg s1  }
0x12: {  	v4 =	vimm.s32 $0x1388;
	v0 =	vmov s31;
	v1 =	vmov s6;
	s11 =	sshrl.u32 @p0 s10, $0x3;
	[dreg:$0xa] =	wrdreg s0;
	s0 =	simm.s32 $0x0  }
.LBB2_24:
0x13: {  	_ =	swait.ge [sflag:s17], $0x4000  }
0x14: {  	[sflag:s17] =	ssyncset.done $0x0  }
0x15: {  	[sflag:s17] =	ssyncadd.s32 $0xFFFFC000  }
.LBB2_25:
0x16: {  	p1 =	slt.u32 s1, $0xA0  }
0x17: {  	s1 =	simm.s32 @!p1 $0x80;
	s6 =	simm.s32 @!p1 $0x4F80;
	s7 =	simm.s32 @!p1 $0xA080  }
0x18: {  	[tilespmem:s7], [sflag:$0x1] =	stream.indirect.gather @!p1 [hbm4b:s4+s1], $0x80, s6, s1, $0xb8;
	[tilespmem:$0x1FD00] =	vst v63  }
.LBB2_26:
0x19: {  	[bflag:$0x0] =	sbarrier.arrive $0xFFFF  }
0x1a: {  	s1 =	simm.s32 @p0 $0x1FC5;
	s6 =	rddreg [dreg:$0x7]  }
0x1b: {  	[hbm:s6], [sflag:s1] =	dma.local @p0 [spmem:s11], $0xC80  }
0x1c: {  	s1 =	simm.s32 @p0 $0x5  }
0x1d: {  	_ =	swait.ge @p0 [sflag:s1], $0xC80  }
0x1e: {  	[sflag:s1] =	ssyncset.done @p0 $0x0  }
0x1f: {  	[sflag:s1] =	ssyncadd.s32 @p0 $0xFFFFF380;
	s1 =	rddreg [dreg:$0x9]  }
0x20: {  	s6 =	rddreg [dreg:$0x6];
	s1 =	sor.u32 @!p0 $0x1C05, s1  }
0x21: {  	[hbm:s6], [sflag:s1] =	dma.local @!p0 [spmem:s13], $0x1400  }
0x22: {  	s1 =	simm.s32 @!p0 $0x5  }
0x23: {  	_ =	swait.ge @!p0 [sflag:s1], $0x1400  }
0x24: {  	s0 =	sadd.s32 $0x1, s0;
	s31 =	rddreg [dreg:$0x8]  }
0x25: {  	p1 =	sne.s32 s0, s31  }
.Ltmp1:
0x26: {  	_ = 	snop;
	(pc) =	sbr.rel @!p1 .LBB2_27-.Ltmp1, $3  }
0x27: {  	_ =	sdelay $0x1  }
0x28: {  	[sflag:s1] =	ssyncset.done @!p0 $0x0  }
0x29: {  	[sflag:s1] =	ssyncadd.s32 @!p0 $0xFFFFEC00  }
.LBB2_1:
0x2a: {  	s1 =	simm.s32 @p0 $0x1FC4  }
0x2b: {  	[spmem:s11], [sflag:s1] =	dma.local @p0 [hbm:s5], $0xD00  }
0x2c: {  	s1 =	rddreg [dreg:$0xa]  }
0x2d: {  	[spmem:s13], [sflag:s1] =	dma.local @!p0 [hbm:s5], $0x1400  }
0x2e: {  	s7 =	simm.s32 $0x5;
	s1 =	rddreg [dreg:$0x5]  }
0x2f: {  	[tilespmem:s3], [sflag:$0x5] =	stream.linear.gather [hbm4b:s1+s3], $0x4E80, $0x38;
	[tilespmem:$0x1FD00] =	vst v63  }
0x30: {  	s30 =	sand.u32 $0x1FE00, s3;
	_ =	swait.ge [sflag:s7], $0x4E80  }
0x31: {  	s6 =	sand.u32 $0x70, s3;
	s1 =	sshrl.u32 s30, $0x2;
	[sflag:s7] =	ssyncset.done $0x0  }
0x32: {  	s1 =	sor.u32 s6, s1;
	[sflag:s7] =	ssyncadd.s32 $0xFFFFB180  }
0x33: {  	v5 =	vld [tilespmem:s1+$0x0];
	_ =	sdelay $0x4  }
0x34: {  	v6 =	vshra.s32 v5, $0x11  }
0x35: {  	v6 =	vadd.s32 v0, v6  }
0x36: {  	vm0 =	vlt.u32 v6, $0x1388  }
0x37: {  	v5 =	vadd.s32 v1, v5;
	v6 =	vmpcnt.ones.xlane vm0  }
0x38: {  	[tilespmem:s15+$0x0] =	vst.msk vm0, v5  }
0x39: {  	v5 =	vld [tilespmem:$0xA000];
	vm0 =	vgt.s32 v6, v2  }
0x3a: {  	v7 =	vadd.s32 v2, v3;
	_ =	sdelay $0x2  }
0x3b: {  	s31 =	simm.s32 $0x40  }
0x3c: {  	s8 =	sand.u32 $0x1FE00, s31;
	s1 =	simm.s32 $0x10;
	v6 =	vadd.s32 v3, v6;
	v8 =	vand.u32 $0x1FFFF, v5  }
0x3d: {  	s8 =	sshrl.u32 s8, $0x2;
	s6 =	simm.s32 $0x80;
	s7 =	sand.u32 $0x70, s1;
	[tilespmem:v7+s3+$0x0] =	vst.idx.msk vm0, v8;
	v8 =	vshra.s32 v5, $0x11;
	v5 =	vmov v6  }
.LBB2_2:
0x3e: {  	p1 =	sne.s32 s6, $0x139C0  }
0x3f: {  	s7 =	sor.u32 s7, s8;
	[tilespmem:v7+s16+$0x0] =	vst.idx.msk vm0, v8;
	s8 =	smov.u32 s6;
	s6 =	sadd.s32 $0x40, s6  }
0x40: {  	v7 =	vld [tilespmem:s7+$0x0];
	_ =	sdelay $0x4  }
0x41: {  	v8 =	vshra.s32 v7, $0x11  }
0x42: {  	v8 =	vadd.s32 v0, v8  }
0x43: {  	vm0 =	vlt.u32 v8, $0x1388  }
0x44: {  	v7 =	vadd.s32 v1, v7;
	v8 =	vmpcnt.ones.xlane vm0  }
0x45: {  	[tilespmem:s15+$0x0] =	vst.msk vm0, v7  }
0x46: {  	vm0 =	vgt.s32 v8, v2;
	v9 =	vld [tilespmem:$0xA000];
	v6 =	vadd.s32 v6, v8  }
0x47: {  	v7 =	vadd.s32 v2, v5;
	v5 =	vmov v6  }
.Ltmp2:
0x48: {  	(pc) =	sbr.rel @p1 .LBB2_2-.Ltmp2, $3  }
0x49: {  	_ =	sdelay $0x1  }
0x4a: {  	s1 =	sadd.s32 $0x10, s1;
	s8 =	sand.u32 $0x1FE00, s8;
	v8 =	vand.u32 $0x1FFFF, v9  }
0x4b: {  	s7 =	sand.u32 $0x70, s1;
	s8 =	sshrl.u32 s8, $0x2;
	[tilespmem:v7+s3+$0x0] =	vst.idx.msk vm0, v8;
	v8 =	vshra.s32 v9, $0x11  }
0x4c: {  	_ =	sdelay $0x4  }
0x4d: {  	s1 =	sor.u32 s7, s8;
	[tilespmem:v7+s16+$0x0] =	vst.idx.msk vm0, v8  }
0x4e: {  	v7 =	vld [tilespmem:s1+$0x0];
	_ =	sdelay $0x4  }
0x4f: {  	v60 =	vshra.s32 v7, $0x11  }
0x50: {  	v8 =	vadd.s32 v0, v60  }
0x51: {  	vm9 =	vlt.u32 v8, $0x1388  }
0x52: {  	v8 =	vmpcnt.ones.xlane vm9;
	_ =	sdelay $0x1  }
0x53: {  	v6 =	vadd.s32 v6, v8  }
0x54: {  	(v2sf) =	vpush v6, $0x0;
	_ =	sdelay $0xe  }
0x55: {  	s6 =	spop (v2sf)  }
0x56: {  	s20 =	sadd.s32 $0x7F, s6  }
0x57: {  	s21 =	sand.u32 $0x7F, s20  }
0x58: {  	s23 =	sshra.s32 s20, $0x1F;
	p1 =	slt.s32 s20, $0x1;
	p2 =	sne.s32 s21, $0x0  }
0x59: {  	v7 =	vadd.s32 v1, v7;
	s24 =	sshrl.u32 s23, $0x19;
	p1 =	por !p1, !p2  }
0x5a: {  	s7 =	simm.s32 $0x1;
	[tilespmem:s15+$0x0] =	vst.msk vm9, v7;
	s1 =	sadd.s32 s24, s20;
	p1 =	por !p1, !p1  }
0x5b: {  	v7 =	vld [tilespmem:$0xA000];
	vm10 =	vgt.s32 v8, v2;
	v61 =	vbroadcast v6, $0x0;
	s1 =	sshra.s32 s1, $0x7;
	s7 =	simm.s32 @!p1 $0x0  }
0x5c: {  	v5 =	vadd.s32 v2, v5;
	s1 =	ssub.s32 s1, s7  }
0x5d: {  	v8 =	vadd.s32 v2, v61;
	s7 =	sshll.u32 s1, $0x7  }
0x5e: {  	s25 =	sadd.s32 $0x10, s6;
	vm1 =	vlt.s32 v8, s7  }
0x5f: {  	v9 =	vadd.s32 s25, v2  }
0x60: {  	v10 =	vand.u32 $0x1FFFF, v7;
	s26 =	sadd.s32 $0x20, s6;
	vm2 =	vlt.s32 v9, s7  }
0x61: {  	v7 =	vshra.s32 v7, $0x11;
	[tilespmem:v5+s3+$0x0] =	vst.idx.msk vm10, v10;
	v62 =	vadd.s32 s26, v2  }
0x62: {  	[tilespmem:v5+s16+$0x0] =	vst.idx.msk vm10, v7;
	s28 =	sadd.s32 $0x30, s6;
	vm11 =	vlt.s32 v62, s7  }
0x63: {  	[tilespmem:$0xA000] =	vst v6;
	v5 =	vadd.s32 s28, v2  }
0x64: {  	s29 =	sadd.s32 $0x40, s6;
	vm3 =	vlt.s32 v5, s7;
	[tilespmem:v8+s3+$0x0] =	vst.idx.msk vm1, v3  }
0x65: {  	v6 =	vadd.s32 s29, v2;
	[tilespmem:v8+s16+$0x0] =	vst.idx.msk vm1, v4  }
0x66: {  	s30 =	sadd.s32 $0x50, s6;
	vm12 =	vlt.s32 v6, s7;
	[tilespmem:v9+s3+$0x0] =	vst.idx.msk vm2, v3  }
0x67: {  	v7 =	vadd.s32 s30, v2;
	[tilespmem:v9+s16+$0x0] =	vst.idx.msk vm2, v4  }
0x68: {  	s31 =	sadd.s32 $0x60, s6;
	vm13 =	vlt.s32 v7, s7;
	[tilespmem:v62+s3+$0x0] =	vst.idx.msk vm11, v3  }
0x69: {  	v63 =	vadd.s32 s31, v2;
	[tilespmem:v62+s16+$0x0] =	vst.idx.msk vm11, v4  }
0x6a: {  	s6 =	sadd.s32 $0x70, s6;
	vm14 =	vlt.s32 v63, s7;
	[tilespmem:v5+s3+$0x0] =	vst.idx.msk vm3, v3  }
0x6b: {  	[tilespmem:v5+s16+$0x0] =	vst.idx.msk vm3, v4;
	v5 =	vadd.s32 s6, v2  }
0x6c: {  	[tilespmem:v6+s3+$0x0] =	vst.idx.msk vm12, v3;
	vm15 =	vlt.s32 v5, s7  }
0x6d: {  	[tilespmem:v6+s16+$0x0] =	vst.idx.msk vm12, v4  }
0x6e: {  	[tilespmem:v7+s3+$0x0] =	vst.idx.msk vm13, v3  }
0x6f: {  	[tilespmem:v7+s16+$0x0] =	vst.idx.msk vm13, v4  }
0x70: {  	[tilespmem:v63+s3+$0x0] =	vst.idx.msk vm14, v3  }
0x71: {  	[tilespmem:v63+s16+$0x0] =	vst.idx.msk vm14, v4  }
0x72: {  	[tilespmem:v5+s3+$0x0] =	vst.idx.msk vm15, v3  }
0x73: {  	s6 =	simm.s32 @p0 $0x4;
	[tilespmem:v5+s16+$0x0] =	vst.idx.msk vm15, v4  }
0x74: {  	_ =	swait.ge @p0 [sflag:s6], $0xD00  }
0x75: {  	[sflag:s6] =	ssyncset.done @p0 $0x0  }
0x76: {  	p1 =	slt.s32 s1, $0x1;
	[sflag:s6] =	ssyncadd.s32 @p0 $0xFFFFF300;
	s6 =	simm.s32 @!p0 $0x4  }
.Ltmp3:
0x77: {  	_ =	swait.ge @!p0 [sflag:s6], $0x1400;
	(pc) =	sbr.rel @p1 .LBB2_9-.Ltmp3, $3  }
0x78: {  	[sflag:s6] =	ssyncset.done @!p0 $0x0  }
0x79: {  	[sflag:s6] =	ssyncadd.s32 @!p0 $0xFFFFEC00  }
0x7a: {  	[bflag:$0x0] =	sbarrier.arrive $0xFFFF;
	_ =	sdelay $0x1  }
0x7b: {  	s8 =	simm.s32 $0xA080;
	p1 =	seq.s32 s1, $0x1  }
0x7c: {  	[tilespmem:s8], [sflag:$0x1] =	stream.indirect.gather [hbm4b:s4+s18], $0x80, s3, s18, $0xb8;
	[tilespmem:$0x1FD00] =	vst v63  }
0x7d: {  	p2 =	slt.u32 s1, $0x3;
	s6 =	simm.s32 @!p1 $0x80;
	s7 =	simm.s32 @!p1 $0xE080  }
0x7e: {  	[tilespmem:s7], [sflag:$0x2] =	stream.indirect.gather @!p1 [hbm4b:s4+s6], $0x80, s6, s6, $0xb8;
	[tilespmem:$0x1FD00] =	vst v63  }
.Ltmp4:
0x7f: {  	_ = 	snop;
	(pc) =	sbr.rel @p2 .LBB2_6-.Ltmp4, $4  }
0x80: {  	_ =	swait.ge [sflag:s17], $0x4000  }
0x81: {  	[sflag:s17] =	ssyncset.done $0x0  }
0x82: {  	[sflag:s17] =	ssyncadd.s32 $0xFFFFC000  }
0x83: {  	[spmem:s2] =	stream.indirect.scatter.add.f32 [tilespmem:s8], [sflag:$0x1], $0x80, s16, s18, $0xb8;
	[tilespmem:$0x1FD00] =	vst v63  }
.Ltmp5:
0x84: {  	(pc) =	sbr.rel .LBB2_7-.Ltmp5, $3  }
0x85: {  	_ =	sdelay $0x1  }
0x86: {  	s6 =	simm.s32 $0x100;
	s7 =	simm.s32 $0x12080  }
0x87: {  	[tilespmem:s7], [sflag:$0x3] =	stream.indirect.gather [hbm4b:s4+s18], $0x80, s6, s18, $0xb8;
	[tilespmem:$0x1FD00] =	vst v63  }
.LBB2_6:
.Ltmp6:
0x88: {  	(pc) =	sbr.rel @p1 .LBB2_8-.Ltmp6, $1  }
0x89: {  	_ =	sdelay $0x3  }
.LBB2_7:
0x8a: {  	_ =	swait.ge [sflag:s22], $0x4000  }
0x8b: {  	[sflag:s22] =	ssyncset.done $0x0  }
0x8c: {  	s6 =	simm.s32 $0x5080;
	s7 =	simm.s32 $0xE080;
	[sflag:s22] =	ssyncadd.s32 $0xFFFFC000  }
0x8d: {  	[spmem:s2] =	stream.indirect.scatter.add.f32 [tilespmem:s7], [sflag:$0x2], $0x80, s6, s18, $0xb8;
	[tilespmem:$0x1FD00] =	vst v63  }
.LBB2_8:
0x8e: {  	_ =	swait.ge [sflag:s17], $0x4000;
	p1 =	slt.u32 s1, $0x4  }
0x8f: {  	[sflag:s17] =	ssyncset.done $0x0;
	s6 =	simm.s32 @!p1 $0x80  }
0x90: {  	s7 =	simm.s32 @!p1 $0x180;
	s8 =	simm.s32 @!p1 $0xA080;
	[sflag:s17] =	ssyncadd.s32 $0xFFFFC000  }
0x91: {  	[tilespmem:s8], [sflag:$0x1] =	stream.indirect.gather @!p1 [hbm4b:s4+s6], $0x80, s7, s6, $0xb8;
	[tilespmem:$0x1FD00] =	vst v63  }
.LBB2_9:
0x92: {  	s6 =	sadd.s32 $0xFFFFFFFF, s1;
	p3 =	sle.s32 s1, $0x2  }
0x93: {  	s19 =	simm.s32 $0x0;
	[dreg:$0x4] =	wrdreg s6;
	s7 =	simm.s32 @!p3 $0x3  }
0x94: {  	s30 =	simm.s32 $0x3;
	s6 =	simm.s32 @!p3 $0x5100;
	_ =	swait.ge @!p3 [sflag:s7], $0x4000  }
0x95: {  	s9 =	simm.s32 @!p3 $0x80;
	[sflag:s7] =	ssyncset.done @!p3 $0x0;
	s8 =	rddreg [dreg:$0x4]  }
0x96: {  	s10 =	simm.s32 @!p3 $0x12080;
	[sflag:s7] =	ssyncadd.s32 @!p3 $0xFFFFC000;
	p4 =	sle.s32 s8, $0x0  }
0x97: {  	[spmem:s2] =	stream.indirect.scatter.add.f32 @!p3 [tilespmem:s10], [sflag:$0x3], $0x80, s6, s9, $0xb8;
	[tilespmem:$0x1FD00] =	vst v63  }
0x98: {  	p2 =	sle.s32 s1, $0x4;
	p1 =	sle.s32 s1, $0x3;
	s8 =	simm.s32 @!p4 $0x2  }
0x99: {  	s23 =	simm.s32 $0x6;
	s20 =	simm.s32 $0x9;
	_ =	swait.ge @!p4 [sflag:s8], $0x4000  }
0x9a: {  	s31 =	simm.s32 @!p1 $0x1;
	s21 =	simm.s32 @!p2 $0x80;
	[sflag:s8] =	ssyncset.done @!p4 $0x0  }
0x9b: {  	s24 =	simm.s32 @!p2 $0xE080;
	s9 =	simm.s32 @!p2 $0x200;
	[sflag:s8] =	ssyncadd.s32 @!p4 $0xFFFFC000  }
0x9c: {  	[tilespmem:s24], [sflag:$0x2] =	stream.indirect.gather @!p2 [hbm4b:s4+s21], $0x80, s9, s21, $0xb8;
	[tilespmem:$0x1FD00] =	vst v63  }
0x9d: {  	p5 =	sle.s32 s1, $0x5;
	s28 =	simm.s32 $0x600;
	_ =	swait.ge @!p1 [sflag:s31], $0x4000  }
0x9e: {  	s26 =	simm.s32 @!p2 $0x5200;
	s10 =	simm.s32 @!p1 $0x5180;
	[sflag:s31] =	ssyncset.done @!p1 $0x0  }
0x9f: {  	s8 =	simm.s32 @!p1 $0x80;
	s9 =	simm.s32 @!p1 $0xA080;
	[sflag:s31] =	ssyncadd.s32 @!p1 $0xFFFFC000  }
0xa0: {  	[spmem:s2] =	stream.indirect.scatter.add.f32 @!p1 [tilespmem:s9], [sflag:$0x1], $0x80, s10, s8, $0xb8;
	[tilespmem:$0x1FD00] =	vst v63  }
0xa1: {  	s29 =	simm.s32 @!p2 $0x2;
	s12 =	simm.s32 @!p5 $0x280;
	_ =	swait.ge @!p3 [sflag:s7], $0x4000  }
0xa2: {  	s6 =	simm.s32 $0x6;
	s8 =	simm.s32 $0x5;
	[sflag:s7] =	ssyncset.done @!p3 $0x0  }
0xa3: {  	s9 =	simm.s32 @!p5 $0x12080;
	s10 =	simm.s32 @!p5 $0x80;
	[sflag:s7] =	ssyncadd.s32 @!p3 $0xFFFFC000  }
.LBB2_10:
0xa4: {  	[tilespmem:s9], [sflag:$0x3] =	stream.indirect.gather @!p5 [hbm4b:s4+s10], $0x80, s12, s10, $0xb8;
	[tilespmem:$0x1FD00] =	vst v63  }
0xa5: {  	s9 =	smov.u32 s23;
	p3 =	sge.s32 s8, s1;
	p4 =	sge.s32 s6, s1  }
0xa6: {  	s14 =	sadd.s32 $0x4, s30;
	s12 =	sadd.s32 $0x5, s30;
	_ =	swait.ge @!p2 [sflag:s29], $0x4000  }
0xa7: {  	s6 =	sshra.s32 @!p4 s19, $0x2;
	s8 =	simm.s32 @!p4 $0xA080;
	s7 =	sshra.s32 @!p3 s28, $0x2  }
0xa8: {  	s19 =	simm.s32 @!p3 $0x80;
	[sflag:s29] =	ssyncset.done @!p2 $0x0;
	s6 =	sadd.s32 @!p4 $0x300, s6  }
0xa9: {  	s10 =	sadd.s32 @!p3 $0x5100, s7;
	s7 =	simm.s32 @!p3 $0x3;
	[sflag:s29] =	ssyncadd.s32 @!p2 $0xFFFFC000  }
0xaa: {  	[spmem:s2] =	stream.indirect.scatter.add.f32 @!p2 [tilespmem:s24], [sflag:$0x2], $0x80, s26, s21, $0xb8;
	[tilespmem:$0x1FD00] =	vst v63  }
0xab: {  	s21 =	simm.s32 @!p3 $0x12080;
	p2 =	sge.s32 s14, s1;
	_ =	swait.ge @!p1 [sflag:s31], $0x4000  }
0xac: {  	s24 =	simm.s32 @!p4 $0x80;
	s29 =	simm.s32 @!p2 $0x2;
	[sflag:s31] =	ssyncset.done @!p1 $0x0  }
0xad: {  	[sflag:s31] =	ssyncadd.s32 @!p1 $0xFFFFC000;
	p1 =	sge.s32 s23, s1;
	s23 =	sadd.s32 $0x3, s23  }
0xae: {  	[tilespmem:s8], [sflag:$0x1] =	stream.indirect.gather @!p4 [hbm4b:s4+s24], $0x80, s6, s24, $0xb8;
	[tilespmem:$0x1FD00] =	vst v63  }
0xaf: {  	s6 =	sshra.s32 @!p2 s28, $0x2;
	s24 =	sshra.s32 @!p1 s28, $0x2;
	_ =	swait.ge @!p3 [sflag:s7], $0x4000  }
0xb0: {  	p4 =	sne.s32 s23, $0x99;
	[sflag:s7] =	ssyncset.done @!p3 $0x0;
	s8 =	rddreg [dreg:$0x4]  }
0xb1: {  	s31 =	simm.s32 @!p1 $0x1;
	[sflag:s7] =	ssyncadd.s32 @!p3 $0xFFFFC000;
	p5 =	sge.s32 s30, s8  }
0xb2: {  	[spmem:s2] =	stream.indirect.scatter.add.f32 @!p3 [tilespmem:s21], [sflag:$0x3], $0x80, s10, s19, $0xb8;
	[tilespmem:$0x1FD00] =	vst v63  }
0xb3: {  	s14 =	sadd.s32 @!p2 $0x200, s6;
	s26 =	sadd.s32 @!p2 $0x5200, s6;
	s6 =	simm.s32 @!p5 $0x2  }
0xb4: {  	s25 =	sadd.s32 @!p1 $0x5180, s24;
	s24 =	simm.s32 @!p2 $0xE080;
	_ =	swait.ge @!p5 [sflag:s6], $0x4000  }
0xb5: {  	s30 =	smov.u32 s9;
	s19 =	sadd.s32 $0x6, s9;
	[sflag:s6] =	ssyncset.done @!p5 $0x0  }
0xb6: {  	s21 =	simm.s32 @!p2 $0x80;
	s8 =	sadd.s32 $0x2, s30;
	[sflag:s6] =	ssyncadd.s32 @!p5 $0xFFFFC000  }
0xb7: {  	[tilespmem:s24], [sflag:$0x2] =	stream.indirect.gather @!p2 [hbm4b:s4+s21], $0x80, s14, s21, $0xb8;
	[tilespmem:$0x1FD00] =	vst v63  }
0xb8: {  	s9 =	simm.s32 @!p1 $0x80;
	s10 =	simm.s32 @!p1 $0xA080;
	_ =	swait.ge @!p1 [sflag:s31], $0x4000  }
0xb9: {  	s6 =	smov.u32 s20;
	s20 =	smov.u32 s19;
	[sflag:s31] =	ssyncset.done @!p1 $0x0  }
.Ltmp7:
0xba: {  	p5 =	sge.s32 s12, s1;
	[sflag:s31] =	ssyncadd.s32 @!p1 $0xFFFFC000;
	(pc) =	sbr.rel @p4 .LBB2_10-.Ltmp7, $4  }
0xbb: {  	[spmem:s2] =	stream.indirect.scatter.add.f32 @!p1 [tilespmem:s10], [sflag:$0x1], $0x80, s25, s9, $0xb8;
	[tilespmem:$0x1FD00] =	vst v63  }
0xbc: {  	s19 =	smov.u32 s28;
	s10 =	sshra.s32 @!p5 s28, $0x2;
	_ =	swait.ge @!p3 [sflag:s7], $0x4000  }
0xbd: {  	s9 =	simm.s32 @!p5 $0x12080;
	s28 =	sadd.s32 $0x600, s28;
	[sflag:s7] =	ssyncset.done @!p3 $0x0  }
0xbe: {  	s12 =	sadd.s32 @!p5 $0x280, s10;
	s10 =	simm.s32 @!p5 $0x80;
	[sflag:s7] =	ssyncadd.s32 @!p3 $0xFFFFC000  }
0xbf: {  	[tilespmem:s9], [sflag:$0x3] =	stream.indirect.gather @!p5 [hbm4b:s4+s10], $0x80, s12, s10, $0xb8;
	[tilespmem:$0x1FD00] =	vst v63  }
0xc0: {  	_ =	swait.ge @!p2 [sflag:s29], $0x4000  }
0xc1: {  	p3 =	sge.s32 s6, s1;
	[sflag:s29] =	ssyncset.done @!p2 $0x0  }
0xc2: {  	s6 =	sshra.s32 @!p3 s19, $0x2;
	[sflag:s29] =	ssyncadd.s32 @!p2 $0xFFFFC000  }
0xc3: {  	[spmem:s2] =	stream.indirect.scatter.add.f32 @!p2 [tilespmem:s24], [sflag:$0x2], $0x80, s26, s21, $0xb8;
	[tilespmem:$0x1FD00] =	vst v63  }
0xc4: {  	s7 =	simm.s32 @!p3 $0xA080;
	s9 =	simm.s32 @!p3 $0x80;
	_ =	swait.ge @!p1 [sflag:s31], $0x4000  }
0xc5: {  	s6 =	sadd.s32 @!p3 $0x300, s6;
	p2 =	sge.s32 s8, s1;
	[sflag:s31] =	ssyncset.done @!p1 $0x0  }
0xc6: {  	s29 =	sadd.s32 $0x4, s30;
	s8 =	simm.s32 @!p2 $0x3;
	[sflag:s31] =	ssyncadd.s32 @!p1 $0xFFFFC000  }
0xc7: {  	[tilespmem:s7], [sflag:$0x1] =	stream.indirect.gather @!p3 [hbm4b:s4+s9], $0x80, s6, s9, $0xb8;
	[tilespmem:$0x1FD00] =	vst v63  }
0xc8: {  	s10 =	simm.s32 @!p2 $0x12080;
	s6 =	sshra.s32 @!p2 s28, $0x2;
	_ =	swait.ge @!p2 [sflag:s8], $0x4000  }
0xc9: {  	s9 =	simm.s32 @!p2 $0x80;
	[sflag:s8] =	ssyncset.done @!p2 $0x0;
	s26 =	rddreg [dreg:$0x4]  }
0xca: {  	s6 =	sadd.s32 @!p2 $0x5100, s6;
	[sflag:s8] =	ssyncadd.s32 @!p2 $0xFFFFC000;
	p4 =	sge.s32 s30, s26  }
0xcb: {  	[spmem:s2] =	stream.indirect.scatter.add.f32 @!p2 [tilespmem:s10], [sflag:$0x3], $0x80, s6, s9, $0xb8;
	[tilespmem:$0x1FD00] =	vst v63  }
0xcc: {  	p3 =	sge.s32 s29, s1;
	s6 =	simm.s32 @!p4 $0x2  }
0xcd: {  	p1 =	sge.s32 s23, s1;
	s7 =	sshra.s32 @!p3 s28, $0x2;
	_ =	swait.ge @!p4 [sflag:s6], $0x4000  }
0xce: {  	s12 =	simm.s32 @!p3 $0x80;
	s14 =	simm.s32 @!p3 $0xE080;
	[sflag:s6] =	ssyncset.done @!p4 $0x0  }
0xcf: {  	s9 =	sadd.s32 @!p3 $0x200, s7;
	s10 =	simm.s32 @!p1 $0x1;
	[sflag:s6] =	ssyncadd.s32 @!p4 $0xFFFFC000  }
0xd0: {  	[tilespmem:s14], [sflag:$0x2] =	stream.indirect.gather @!p3 [hbm4b:s4+s12], $0x80, s9, s12, $0xb8;
	[tilespmem:$0x1FD00] =	vst v63  }
0xd1: {  	s31 =	sadd.s32 $0x5, s30;
	s19 =	simm.s32 @!p1 $0x80;
	_ =	swait.ge @!p1 [sflag:s10], $0x4000  }
0xd2: {  	s21 =	simm.s32 @!p1 $0xA080;
	s6 =	sshra.s32 @!p1 s28, $0x2;
	[sflag:s10] =	ssyncset.done @!p1 $0x0  }
0xd3: {  	p4 =	sge.s32 s31, s1;
	s6 =	sadd.s32 @!p1 $0x5180, s6;
	[sflag:s10] =	ssyncadd.s32 @!p1 $0xFFFFC000  }
0xd4: {  	[spmem:s2] =	stream.indirect.scatter.add.f32 @!p1 [tilespmem:s21], [sflag:$0x1], $0x80, s6, s19, $0xb8;
	[tilespmem:$0x1FD00] =	vst v63  }
0xd5: {  	s9 =	sshra.s32 @!p4 s28, $0x2;
	_ =	swait.ge @!p2 [sflag:s8], $0x4000  }
0xd6: {  	s9 =	sadd.s32 @!p4 $0x280, s9;
	s6 =	simm.s32 @!p3 $0x2;
	[sflag:s8] =	ssyncset.done @!p2 $0x0  }
0xd7: {  	s19 =	simm.s32 @!p4 $0x12080;
	s21 =	simm.s32 @!p4 $0x80;
	[sflag:s8] =	ssyncadd.s32 @!p2 $0xFFFFC000  }
0xd8: {  	[tilespmem:s19], [sflag:$0x3] =	stream.indirect.gather @!p4 [hbm4b:s4+s21], $0x80, s9, s21, $0xb8;
	[tilespmem:$0x1FD00] =	vst v63  }
0xd9: {  	_ =	swait.ge @!p3 [sflag:s6], $0x4000  }
0xda: {  	[sflag:s6] =	ssyncset.done @!p3 $0x0  }
0xdb: {  	s7 =	sadd.s32 @!p3 $0x5200, s7;
	[sflag:s6] =	ssyncadd.s32 @!p3 $0xFFFFC000  }
0xdc: {  	[spmem:s2] =	stream.indirect.scatter.add.f32 @!p3 [tilespmem:s14], [sflag:$0x2], $0x80, s7, s12, $0xb8;
	[tilespmem:$0x1FD00] =	vst v63  }
0xdd: {  	p2 =	sge.s32 s20, s1;
	_ =	swait.ge @!p1 [sflag:s10], $0x4000  }
0xde: {  	s8 =	simm.s32 @!p2 $0x80;
	s6 =	sshra.s32 @!p2 s28, $0x2;
	[sflag:s10] =	ssyncset.done @!p1 $0x0  }
0xdf: {  	s7 =	simm.s32 @!p2 $0xA080;
	s6 =	sadd.s32 @!p2 $0x300, s6;
	[sflag:s10] =	ssyncadd.s32 @!p1 $0xFFFFC000  }
0xe0: {  	[tilespmem:s7], [sflag:$0x1] =	stream.indirect.gather @!p2 [hbm4b:s4+s8], $0x80, s6, s8, $0xb8;
	[tilespmem:$0x1FD00] =	vst v63  }
0xe1: {  	p2 =	slt.s32 s1, $0x9C  }
.Ltmp8:
0xe2: {  	_ = 	snop;
	(pc) =	sbr.rel @p2 .LBB2_13-.Ltmp8, $1  }
0xe3: {  	_ =	sdelay $0x3  }
.Ltmp9:
0xe4: {  	s6 =	simm.s32 $0x3;
	(pc) =	sbr.rel .LBB2_14-.Ltmp9, $4  }
0xe5: {  	_ =	swait.ge [sflag:s6], $0x4000  }
0xe6: {  	[sflag:s6] =	ssyncset.done $0x0  }
0xe7: {  	s31 =	simm.s32 $0x12080;
	s7 =	simm.s32 $0x9D80;
	[sflag:s6] =	ssyncadd.s32 $0xFFFFC000  }
0xe8: {  	[spmem:s2] =	stream.indirect.scatter.add.f32 [tilespmem:s31], [sflag:$0x3], $0x80, s7, s18, $0xb8;
	[tilespmem:$0x1FD00] =	vst v63  }
.LBB2_13:
0xe9: {  	p1 =	sne.s32 s1, $0x9B  }
.Ltmp10:
0xea: {  	_ = 	snop;
	(pc) =	sbr.rel @p1 .LBB2_26-.Ltmp10, $1  }
0xeb: {  	_ =	sdelay $0x3  }
.LBB2_14:
0xec: {  	p1 =	slt.u32 s1, $0x9E  }
.Ltmp11:
0xed: {  	_ = 	snop;
	(pc) =	sbr.rel @p1 .LBB2_16-.Ltmp11, $4  }
0xee: {  	_ = 	snop  }
0xef: {  	_ =	swait.ge [sflag:s22], $0x4000  }
0xf0: {  	[sflag:s22] =	ssyncset.done $0x0  }
0xf1: {  	[sflag:s22] =	ssyncadd.s32 $0xFFFFC000  }
.Ltmp12:
0xf2: {  	(pc) =	sbr.rel .LBB2_17-.Ltmp12, $3  }
0xf3: {  	_ =	sdelay $0x1  }
0xf4: {  	s6 =	simm.s32 $0xE080;
	s7 =	simm.s32 $0x4E80  }
0xf5: {  	[tilespmem:s6], [sflag:$0x2] =	stream.indirect.gather [hbm4b:s4+s18], $0x80, s7, s18, $0xb8;
	[tilespmem:$0x1FD00] =	vst v63  }
.LBB2_16:
0xf6: {  	p3 =	sne.s32 s1, $0x9D  }
.Ltmp13:
0xf7: {  	_ = 	snop;
	(pc) =	sbr.rel @p3 .LBB2_18-.Ltmp13, $1  }
0xf8: {  	_ =	sdelay $0x3  }
.LBB2_17:
0xf9: {  	_ =	swait.ge [sflag:s17], $0x4000  }
0xfa: {  	s6 =	simm.s32 $0xA080;
	[sflag:s17] =	ssyncset.done $0x0  }
0xfb: {  	s7 =	simm.s32 $0x9E00;
	p3 =	por $0x1, $0x1;
	[sflag:s17] =	ssyncadd.s32 $0xFFFFC000  }
0xfc: {  	[spmem:s2] =	stream.indirect.scatter.add.f32 [tilespmem:s6], [sflag:$0x1], $0x80, s7, s18, $0xb8;
	[tilespmem:$0x1FD00] =	vst v63  }
.LBB2_19:
0xfd: {  	p2 =	slt.u32 s1, $0x9F  }
.Ltmp14:
0xfe: {  	_ = 	snop;
	(pc) =	sbr.rel @p2 .LBB2_21-.Ltmp14, $4  }
0xff: {  	s6 =	simm.s32 $0x3  }
0x100: {  	_ =	swait.ge [sflag:s6], $0x4000  }
0x101: {  	[sflag:s6] =	ssyncset.done $0x0  }
0x102: {  	[sflag:s6] =	ssyncadd.s32 $0xFFFFC000  }
.Ltmp15:
0x103: {  	(pc) =	sbr.rel .LBB2_22-.Ltmp15, $3  }
0x104: {  	_ =	sdelay $0x1  }
0x105: {  	s6 =	simm.s32 $0x12080;
	s7 =	simm.s32 $0x4F00  }
0x106: {  	[tilespmem:s6], [sflag:$0x3] =	stream.indirect.gather [hbm4b:s4+s18], $0x80, s7, s18, $0xb8;
	[tilespmem:$0x1FD00] =	vst v63  }
.LBB2_21:
.Ltmp16:
0x107: {  	(pc) =	sbr.rel @p1 .LBB2_23-.Ltmp16, $1  }
0x108: {  	_ =	sdelay $0x3  }
.LBB2_22:
.Ltmp17:
0x109: {  	(pc) =	sbr.rel @p3 .LBB2_24-.Ltmp17, $4  }
.Ltmp18:
0x10a: {  	_ =	swait.ge [sflag:s22], $0x4000;
	(pc) =	sbr.rel @!p3 .LBB2_25-.Ltmp18, $4  }
0x10b: {  	[sflag:s22] =	ssyncset.done $0x0  }
0x10c: {  	s6 =	simm.s32 $0xE080;
	s7 =	simm.s32 $0x9E80;
	[sflag:s22] =	ssyncadd.s32 $0xFFFFC000  }
0x10d: {  	[spmem:s2] =	stream.indirect.scatter.add.f32 [tilespmem:s6], [sflag:$0x2], $0x80, s7, s18, $0xb8;
	[tilespmem:$0x1FD00] =	vst v63  }
0x10e: {  	_ = 	snop  }
.LBB2_18:
.Ltmp19:
0x10f: {  	(pc) =	sbr.rel @p2 .LBB2_26-.Ltmp19, $4  }
.Ltmp20:
0x110: {  	(pc) =	sbr.rel @!p2 .LBB2_19-.Ltmp20, $4  }
0x111: {  	_ = 	snop  }
0x112: {  	_ = 	snop  }
0x113: {  	p3 =	por $0x0, $0x0  }
0x114: {  	_ = 	snop  }
.LBB2_23:
.Ltmp21:
0x115: {  	(pc) =	sbr.rel @!p3 .LBB2_25-.Ltmp21, $4  }
.Ltmp22:
0x116: {  	(pc) =	sbr.rel @p3 .LBB2_24-.Ltmp22, $4  }
0x117: {  	_ = 	snop  }
0x118: {  	_ = 	snop  }
0x119: {  	_ = 	snop  }
0x11a: {  	_ = 	snop  }
.LBB2_27:
0x11b: {  	_ =	sfence.sel $0x180000  }
0x11c: {  	[bflag:$0x0] =	sbarrier.arrive $0xFFFF  }
0x11d: {  	_ =	strace $0x90000047  }
0x11e: {  	s0 =	stileid.u32;
	[bflag:$0x2] =	sbarrier.arrive $0xFFFF  }
0x11f: {  	p0 =	sne.s32 s0, $0x0;
	s0 =	rddreg [dreg:$0x3]  }
0x120: {  	s0 =	sadd.s32 @!p0 $0x100000, s0  }
0x121: {  	[sflag:s0] =	ssyncadd.tile.s32 @!p0 $0x1;
	_ =	shalt  }
.Lfunc_end2:
_tile_overlayer_lowered:
.L_overlay_start_2:
0x122: {  	(tag) =	ssettag $0x2  }
0x123: {  	s0 =	rddreg [dreg:$0x0];
	s2 =	stileid.u32  }
0x124: {  	s1 =	rddreg [dreg:$0x1];
	p0 =	sne.s32 s2, $0x0  }
0x125: {  	s3 =	rddreg [dreg:$0x2];
	[bflag:$0x3] =	sbarrier.arrive $0xFFFF;
	s2 =	simm.s32 @!p0 $0x1C05  }
0x126: {  	[timem:s3], [sflag:s2] =	dma.local @!p0 [hbm:s0], s1  }
0x127: {  	s0 =	simm.s32 @!p0 $0x5  }
0x128: {  	_ =	swait.ge @!p0 [sflag:s0], s1  }
0x129: {  	s1 =	ssub.s32 @!p0 $0x0, s1;
	[sflag:s0] =	ssyncset.done @!p0 $0x0  }
0x12a: {  	[sflag:s0] =	ssyncadd.s32 @!p0 s1  }
0x12b: {  	[bflag:$0x3] =	sbarrier.arrive $0xFFFF  }
0x12c: {  	_ =	shalt  }

</sc_bundles>
